<compile_context>
chip_gen: v7x
topology: tpu7x:2x2x1
jax: 0.10.2.dev20260603
libtpu: 0.0.44.dev20260713+nightly
codegen_flags: <defaults>
</compile_context>

<pallas_src>
import functools

import jax
import jax.numpy as jnp
from jax import lax
from jax.experimental import pallas as pl
from jax.experimental.pallas import tpu as pltpu
from jax.experimental.pallas import tpu_sc as plsc

_NC = 2
_NS = 16
_IN_F = 6
_OUT_F = 8
_SB = 64


def _sc_linear(v_t, wb, T):
    n_workers = _NC * _NS
    chunk = T // n_workers

    mesh = plsc.VectorSubcoreMesh(
        core_axis_name="c", subcore_axis_name="s",
        num_cores=_NC, num_subcores=_NS)

    @functools.partial(
        pl.kernel,
        out_type=jax.ShapeDtypeStruct((_OUT_F, T), jnp.float32),
        mesh=mesh,
        scratch_types=[
            pltpu.VMEM((_IN_F, chunk), jnp.float32),
            pltpu.VMEM((_OUT_F, chunk), jnp.float32),
            pltpu.VMEM((64,), jnp.float32),
        ],
        compiler_params=pltpu.CompilerParams(needs_layout_passes=False),
    )
    def run(v_hbm, wb_hbm, out_hbm, v_vmem, o_vmem, wb_vmem):
        wid = lax.axis_index("s") * _NC + lax.axis_index("c")
        base = wid * chunk
        pltpu.sync_copy(wb_hbm, wb_vmem)
        pltpu.sync_copy(v_hbm.at[:, pl.ds(base, chunk)], v_vmem)

        wv = [wb_vmem[pl.ds(16 * j, 16)] for j in range(4)]
        lane = lax.iota(jnp.int32, 16)

        def scalar_at(j):
            masked = jnp.where(lane == (j % 16), wv[j // 16], 0.0)
            return jnp.sum(masked, axis=0)

        ws = [scalar_at(j) for j in range(_IN_F * _OUT_F)]
        bs = [scalar_at(48 + o) for o in range(_OUT_F)]
        groups = _SB // 16

        def step(k, carry):
            t0 = k * _SB
            vi = [[v_vmem[i, pl.ds(t0 + 16 * g, 16)]
                   for i in range(_IN_F)] for g in range(groups)]
            for o in range(_OUT_F):
                for g in range(groups):
                    acc = vi[g][0] * ws[o * _IN_F] + bs[o]
                    for i in range(1, _IN_F):
                        acc = acc + vi[g][i] * ws[o * _IN_F + i]
                    o_vmem[o, pl.ds(t0 + 16 * g, 16)] = acc
            return carry

        lax.fori_loop(0, chunk // _SB, step, 0)
        pltpu.sync_copy(o_vmem, out_hbm.at[:, pl.ds(base, chunk)])

    return run(v_t, wb)


def kernel(values, offsets, W, b):
    del offsets
    T = values.shape[0]
    wb = jnp.pad(jnp.concatenate([W.reshape(-1), b]), (0, 8))
    out_t = _sc_linear(values.T, wb, T)
    return out_t.T

# --- scband reference (transcript-rebuilt; emitter-appended) ---
"""Pipeline reference for scband-my-model-61933428416024 (READ-ONLY COPY).

The authoritative reference and input builder live on the scoring server;
editing this copy changes nothing except your own understanding.
"""

import jax, jax.numpy as jnp
import numpy as np

TOTAL_TOKENS = 32768
BATCH = 16
IN_F = 6
OUT_F = 8

def setup_inputs(seed: int = 0) -> dict:
    key = jax.random.key(seed)
    k1, k2, k3, k4 = jax.random.split(key, 4)
    values = jax.random.normal(k1, (TOTAL_TOKENS, IN_F), dtype=jnp.float32)
    # offsets: cu_seqlens-style jagged offsets, monotone, starting at 0 and ending at TOTAL_TOKENS
    inner = jnp.sort(jax.random.randint(k2, (BATCH - 1,), 0, TOTAL_TOKENS))
    offsets = jnp.concatenate([
        jnp.zeros((1,), dtype=jnp.int64),
        inner.astype(jnp.int64),
        jnp.full((1,), TOTAL_TOKENS, dtype=jnp.int64),
    ])
    # Linear(6, 8) parameters (torch layout: W [out, in], b [out])
    bound = 1.0 / np.sqrt(IN_F)
    W = jax.random.uniform(k3, (OUT_F, IN_F), minval=-bound, maxval=bound, dtype=jnp.float32)
    b = jax.random.uniform(k4, (OUT_F,), minval=-bound, maxval=bound, dtype=jnp.float32)
    return {"values": values, "offsets": offsets, "W": W, "b": b}


def reference(values, offsets, W, b):
    # use_nt=True path: the nested tensor is a view over the flat buffer;
    # Linear applies per-token over the last dim, and buffer_from_jagged
    # returns the flat [total_tokens, out_features] buffer. offsets define
    # the jagged structure but do not alter the per-token math.
    out = values @ W.T + b
    return out

if __name__ == "__main__":
    import jax
    _d = setup_inputs()
    print(jax.jit(kernel)(*tuple(_d.values())))

</pallas_src>

<mosaic_0001>
#map = affine_map<(d0, d1) -> (0, 0)>
#map1 = affine_map<(d0, d1) -> (0)>
module attributes {stable_mosaic.version = 14 : i64} {
  func.func @run(%arg0: i32, %arg1: i32, %arg2: memref<6x32768xf32, #tpu.memory_space<hbm>>, %arg3: memref<64xf32, #tpu.memory_space<hbm>>, %arg4: memref<8x32768xf32, #tpu.memory_space<hbm>>, %arg5: memref<6x1024xf32, #tpu.memory_space<vmem>>, %arg6: memref<8x1024xf32, #tpu.memory_space<vmem>>, %arg7: memref<64xf32, #tpu.memory_space<vmem>>) attributes {dimension_semantics = [#tpu.dimension_semantics<core_parallel>, #tpu.dimension_semantics<subcore_parallel>], iteration_bounds = array<i64: 2, 16>, scalar_prefetch = 0 : i64, scratch_operands = 3 : i64, tpu.core_type = #tpu.core_type<sc_vector_subcore>, window_params = [{transform_indices = #map}, {transform_indices = #map1}, {transform_indices = #map}]} {
    %mul3A = arith.constant 2 : i32
    %mul3A_0 = arith.muli %arg1, %mul3A : i32
    %add3A = arith.addi %mul3A_0, %arg0 : i32
    %mul3A_1 = arith.constant 1024 : i32
    %mul3A_2 = arith.muli %add3A, %mul3A_1 : i32
    "tpu.region"() ({
      %run_scoped3A = tpu.sem_alloc : memref<!tpu.dma_semaphore, #tpu.memory_space<semaphore_mem>>
      tpu.enqueue_dma source(%arg3 : memref<64xf32, #tpu.memory_space<hbm>>) target(%arg7 : memref<64xf32, #tpu.memory_space<vmem>>) target_semaphore(%run_scoped3A : memref<!tpu.dma_semaphore, #tpu.memory_space<semaphore_mem>>)
      tpu.wait_dma2 semaphore(%run_scoped3A : memref<!tpu.dma_semaphore, #tpu.memory_space<semaphore_mem>>) src(%arg3 : memref<64xf32, #tpu.memory_space<hbm>>) dst(%arg7 : memref<64xf32, #tpu.memory_space<vmem>>)
      tpu.yield
    }) : () -> ()
    "tpu.region"() ({
      %run_scoped3A = tpu.sem_alloc : memref<!tpu.dma_semaphore, #tpu.memory_space<semaphore_mem>>
      %dma_start3A = arith.constant 0 : i32
      %dma_start3A_570 = tpu.memref_slice %arg2[%dma_start3A, %mul3A_2] : memref<6x32768xf32, #tpu.memory_space<hbm>> -> memref<6x1024xf32, #tpu.memory_space<hbm>>
      %dma_start3A_571 = arith.constant 0 : i32
      %dma_start3A_572 = tpu.memref_slice %arg2[%dma_start3A_571, %mul3A_2] : memref<6x32768xf32, #tpu.memory_space<hbm>> -> memref<6x1024xf32, #tpu.memory_space<hbm>>
      tpu.enqueue_dma source(%dma_start3A_572 : memref<6x1024xf32, #tpu.memory_space<hbm>>) target(%arg5 : memref<6x1024xf32, #tpu.memory_space<vmem>>) target_semaphore(%run_scoped3A : memref<!tpu.dma_semaphore, #tpu.memory_space<semaphore_mem>>)
      %dma_wait3A = arith.constant 0 : i32
      %dma_wait3A_573 = tpu.memref_slice %arg2[%dma_wait3A, %mul3A_2] : memref<6x32768xf32, #tpu.memory_space<hbm>> -> memref<6x1024xf32, #tpu.memory_space<hbm>>
      %dma_wait3A_574 = arith.constant 0 : i32
      %dma_wait3A_575 = tpu.memref_slice %arg2[%dma_wait3A_574, %mul3A_2] : memref<6x32768xf32, #tpu.memory_space<hbm>> -> memref<6x1024xf32, #tpu.memory_space<hbm>>
      tpu.wait_dma2 semaphore(%run_scoped3A : memref<!tpu.dma_semaphore, #tpu.memory_space<semaphore_mem>>) src(%dma_wait3A_575 : memref<6x1024xf32, #tpu.memory_space<hbm>>) dst(%arg5 : memref<6x1024xf32, #tpu.memory_space<vmem>>)
      tpu.yield
    }) : () -> ()
    %get3A = arith.constant 0 : index
    %get3A_3 = tpu.vector_load %arg7[%get3A] {strides = array<i32>} : memref<64xf32, #tpu.memory_space<vmem>>, vector<16xf32>,
    %get3A_4 = arith.constant 16 : index
    %get3A_5 = tpu.vector_load %arg7[%get3A_4] {strides = array<i32>} : memref<64xf32, #tpu.memory_space<vmem>>, vector<16xf32>,
    %get3A_6 = arith.constant 32 : index
    %get3A_7 = tpu.vector_load %arg7[%get3A_6] {strides = array<i32>} : memref<64xf32, #tpu.memory_space<vmem>>, vector<16xf32>,
    %get3A_8 = arith.constant 48 : index
    %get3A_9 = tpu.vector_load %arg7[%get3A_8] {strides = array<i32>} : memref<64xf32, #tpu.memory_space<vmem>>, vector<16xf32>,
    %iota3A = tpu.iota {dimensions = array<i32: 0>} : vector<16xi32>
    %eq3A = arith.constant 0 : i32
    %eq3A_10 = vector.broadcast %eq3A : i32 to vector<16xi32>
    %eq3A_11 = arith.cmpi eq, %iota3A, %eq3A_10 : vector<16xi32>
    %jit3A = arith.constant 0.000000e+00 : f32
    %broadcast_in_dim3A = vector.broadcast %jit3A : f32 to vector<16xf32>
    %select_n3A = arith.select %eq3A_11, %get3A_3, %broadcast_in_dim3A : vector<16xi1>, vector<16xf32>
    %reduce_sum3A = arith.constant true
    %reduce_sum3A_12 = vector.broadcast %reduce_sum3A : i1 to vector<16xi1>
    %reduce_sum3A_13 = tpu.scan <sum>, %select_n3A masked %reduce_sum3A_12 : vector<16xf32>, vector<16xi1> -> vector<16xf32>
    %reduce_sum3A_14 = vector.extract %reduce_sum3A_13[15] : f32 from vector<16xf32>
    %eq3A_15 = arith.constant 1 : i32
    %eq3A_16 = vector.broadcast %eq3A_15 : i32 to vector<16xi32>
    %eq3A_17 = arith.cmpi eq, %iota3A, %eq3A_16 : vector<16xi32>
    %jit3A_18 = arith.constant 0.000000e+00 : f32
    %broadcast_in_dim3A_19 = vector.broadcast %jit3A_18 : f32 to vector<16xf32>
    %select_n3A_20 = arith.select %eq3A_17, %get3A_3, %broadcast_in_dim3A_19 : vector<16xi1>, vector<16xf32>
    %reduce_sum3A_21 = arith.constant true
    %reduce_sum3A_22 = vector.broadcast %reduce_sum3A_21 : i1 to vector<16xi1>
    %reduce_sum3A_23 = tpu.scan <sum>, %select_n3A_20 masked %reduce_sum3A_22 : vector<16xf32>, vector<16xi1> -> vector<16xf32>
    %reduce_sum3A_24 = vector.extract %reduce_sum3A_23[15] : f32 from vector<16xf32>
    %eq3A_25 = arith.constant 2 : i32
    %eq3A_26 = vector.broadcast %eq3A_25 : i32 to vector<16xi32>
    %eq3A_27 = arith.cmpi eq, %iota3A, %eq3A_26 : vector<16xi32>
    %jit3A_28 = arith.constant 0.000000e+00 : f32
    %broadcast_in_dim3A_29 = vector.broadcast %jit3A_28 : f32 to vector<16xf32>
    %select_n3A_30 = arith.select %eq3A_27, %get3A_3, %broadcast_in_dim3A_29 : vector<16xi1>, vector<16xf32>
    %reduce_sum3A_31 = arith.constant true
    %reduce_sum3A_32 = vector.broadcast %reduce_sum3A_31 : i1 to vector<16xi1>
    %reduce_sum3A_33 = tpu.scan <sum>, %select_n3A_30 masked %reduce_sum3A_32 : vector<16xf32>, vector<16xi1> -> vector<16xf32>
    %reduce_sum3A_34 = vector.extract %reduce_sum3A_33[15] : f32 from vector<16xf32>
    %eq3A_35 = arith.constant 3 : i32
    %eq3A_36 = vector.broadcast %eq3A_35 : i32 to vector<16xi32>
    %eq3A_37 = arith.cmpi eq, %iota3A, %eq3A_36 : vector<16xi32>
    %jit3A_38 = arith.constant 0.000000e+00 : f32
    %broadcast_in_dim3A_39 = vector.broadcast %jit3A_38 : f32 to vector<16xf32>
    %select_n3A_40 = arith.select %eq3A_37, %get3A_3, %broadcast_in_dim3A_39 : vector<16xi1>, vector<16xf32>
    %reduce_sum3A_41 = arith.constant true
    %reduce_sum3A_42 = vector.broadcast %reduce_sum3A_41 : i1 to vector<16xi1>
    %reduce_sum3A_43 = tpu.scan <sum>, %select_n3A_40 masked %reduce_sum3A_42 : vector<16xf32>, vector<16xi1> -> vector<16xf32>
    %reduce_sum3A_44 = vector.extract %reduce_sum3A_43[15] : f32 from vector<16xf32>
    %eq3A_45 = arith.constant 4 : i32
    %eq3A_46 = vector.broadcast %eq3A_45 : i32 to vector<16xi32>
    %eq3A_47 = arith.cmpi eq, %iota3A, %eq3A_46 : vector<16xi32>
    %jit3A_48 = arith.constant 0.000000e+00 : f32
    %broadcast_in_dim3A_49 = vector.broadcast %jit3A_48 : f32 to vector<16xf32>
    %select_n3A_50 = arith.select %eq3A_47, %get3A_3, %broadcast_in_dim3A_49 : vector<16xi1>, vector<16xf32>
    %reduce_sum3A_51 = arith.constant true
    %reduce_sum3A_52 = vector.broadcast %reduce_sum3A_51 : i1 to vector<16xi1>
    %reduce_sum3A_53 = tpu.scan <sum>, %select_n3A_50 masked %reduce_sum3A_52 : vector<16xf32>, vector<16xi1> -> vector<16xf32>
    %reduce_sum3A_54 = vector.extract %reduce_sum3A_53[15] : f32 from vector<16xf32>
    %eq3A_55 = arith.constant 5 : i32
    %eq3A_56 = vector.broadcast %eq3A_55 : i32 to vector<16xi32>
    %eq3A_57 = arith.cmpi eq, %iota3A, %eq3A_56 : vector<16xi32>
    %jit3A_58 = arith.constant 0.000000e+00 : f32
    %broadcast_in_dim3A_59 = vector.broadcast %jit3A_58 : f32 to vector<16xf32>
    %select_n3A_60 = arith.select %eq3A_57, %get3A_3, %broadcast_in_dim3A_59 : vector<16xi1>, vector<16xf32>
    %reduce_sum3A_61 = arith.constant true
    %reduce_sum3A_62 = vector.broadcast %reduce_sum3A_61 : i1 to vector<16xi1>
    %reduce_sum3A_63 = tpu.scan <sum>, %select_n3A_60 masked %reduce_sum3A_62 : vector<16xf32>, vector<16xi1> -> vector<16xf32>
    %reduce_sum3A_64 = vector.extract %reduce_sum3A_63[15] : f32 from vector<16xf32>
    %eq3A_65 = arith.constant 6 : i32
    %eq3A_66 = vector.broadcast %eq3A_65 : i32 to vector<16xi32>
    %eq3A_67 = arith.cmpi eq, %iota3A, %eq3A_66 : vector<16xi32>
    %jit3A_68 = arith.constant 0.000000e+00 : f32
    %broadcast_in_dim3A_69 = vector.broadcast %jit3A_68 : f32 to vector<16xf32>
    %select_n3A_70 = arith.select %eq3A_67, %get3A_3, %broadcast_in_dim3A_69 : vector<16xi1>, vector<16xf32>
    %reduce_sum3A_71 = arith.constant true
    %reduce_sum3A_72 = vector.broadcast %reduce_sum3A_71 : i1 to vector<16xi1>
    %reduce_sum3A_73 = tpu.scan <sum>, %select_n3A_70 masked %reduce_sum3A_72 : vector<16xf32>, vector<16xi1> -> vector<16xf32>
    %reduce_sum3A_74 = vector.extract %reduce_sum3A_73[15] : f32 from vector<16xf32>
    %eq3A_75 = arith.constant 7 : i32
    %eq3A_76 = vector.broadcast %eq3A_75 : i32 to vector<16xi32>
    %eq3A_77 = arith.cmpi eq, %iota3A, %eq3A_76 : vector<16xi32>
    %jit3A_78 = arith.constant 0.000000e+00 : f32
    %broadcast_in_dim3A_79 = vector.broadcast %jit3A_78 : f32 to vector<16xf32>
    %select_n3A_80 = arith.select %eq3A_77, %get3A_3, %broadcast_in_dim3A_79 : vector<16xi1>, vector<16xf32>
    %reduce_sum3A_81 = arith.constant true
    %reduce_sum3A_82 = vector.broadcast %reduce_sum3A_81 : i1 to vector<16xi1>
    %reduce_sum3A_83 = tpu.scan <sum>, %select_n3A_80 masked %reduce_sum3A_82 : vector<16xf32>, vector<16xi1> -> vector<16xf32>
    %reduce_sum3A_84 = vector.extract %reduce_sum3A_83[15] : f32 from vector<16xf32>
    %eq3A_85 = arith.constant 8 : i32
    %eq3A_86 = vector.broadcast %eq3A_85 : i32 to vector<16xi32>
    %eq3A_87 = arith.cmpi eq, %iota3A, %eq3A_86 : vector<16xi32>
    %jit3A_88 = arith.constant 0.000000e+00 : f32
    %broadcast_in_dim3A_89 = vector.broadcast %jit3A_88 : f32 to vector<16xf32>
    %select_n3A_90 = arith.select %eq3A_87, %get3A_3, %broadcast_in_dim3A_89 : vector<16xi1>, vector<16xf32>
    %reduce_sum3A_91 = arith.constant true
    %reduce_sum3A_92 = vector.broadcast %reduce_sum3A_91 : i1 to vector<16xi1>
    %reduce_sum3A_93 = tpu.scan <sum>, %select_n3A_90 masked %reduce_sum3A_92 : vector<16xf32>, vector<16xi1> -> vector<16xf32>
    %reduce_sum3A_94 = vector.extract %reduce_sum3A_93[15] : f32 from vector<16xf32>
    %eq3A_95 = arith.constant 9 : i32
    %eq3A_96 = vector.broadcast %eq3A_95 : i32 to vector<16xi32>
    %eq3A_97 = arith.cmpi eq, %iota3A, %eq3A_96 : vector<16xi32>
    %jit3A_98 = arith.constant 0.000000e+00 : f32
    %broadcast_in_dim3A_99 = vector.broadcast %jit3A_98 : f32 to vector<16xf32>
    %select_n3A_100 = arith.select %eq3A_97, %get3A_3, %broadcast_in_dim3A_99 : vector<16xi1>, vector<16xf32>
    %reduce_sum3A_101 = arith.constant true
    %reduce_sum3A_102 = vector.broadcast %reduce_sum3A_101 : i1 to vector<16xi1>
    %reduce_sum3A_103 = tpu.scan <sum>, %select_n3A_100 masked %reduce_sum3A_102 : vector<16xf32>, vector<16xi1> -> vector<16xf32>
    %reduce_sum3A_104 = vector.extract %reduce_sum3A_103[15] : f32 from vector<16xf32>
    %eq3A_105 = arith.constant 10 : i32
    %eq3A_106 = vector.broadcast %eq3A_105 : i32 to vector<16xi32>
    %eq3A_107 = arith.cmpi eq, %iota3A, %eq3A_106 : vector<16xi32>
    %jit3A_108 = arith.constant 0.000000e+00 : f32
    %broadcast_in_dim3A_109 = vector.broadcast %jit3A_108 : f32 to vector<16xf32>
    %select_n3A_110 = arith.select %eq3A_107, %get3A_3, %broadcast_in_dim3A_109 : vector<16xi1>, vector<16xf32>
    %reduce_sum3A_111 = arith.constant true
    %reduce_sum3A_112 = vector.broadcast %reduce_sum3A_111 : i1 to vector<16xi1>
    %reduce_sum3A_113 = tpu.scan <sum>, %select_n3A_110 masked %reduce_sum3A_112 : vector<16xf32>, vector<16xi1> -> vector<16xf32>
    %reduce_sum3A_114 = vector.extract %reduce_sum3A_113[15] : f32 from vector<16xf32>
    %eq3A_115 = arith.constant 11 : i32
    %eq3A_116 = vector.broadcast %eq3A_115 : i32 to vector<16xi32>
    %eq3A_117 = arith.cmpi eq, %iota3A, %eq3A_116 : vector<16xi32>
    %jit3A_118 = arith.constant 0.000000e+00 : f32
    %broadcast_in_dim3A_119 = vector.broadcast %jit3A_118 : f32 to vector<16xf32>
    %select_n3A_120 = arith.select %eq3A_117, %get3A_3, %broadcast_in_dim3A_119 : vector<16xi1>, vector<16xf32>
    %reduce_sum3A_121 = arith.constant true
    %reduce_sum3A_122 = vector.broadcast %reduce_sum3A_121 : i1 to vector<16xi1>
    %reduce_sum3A_123 = tpu.scan <sum>, %select_n3A_120 masked %reduce_sum3A_122 : vector<16xf32>, vector<16xi1> -> vector<16xf32>
    %reduce_sum3A_124 = vector.extract %reduce_sum3A_123[15] : f32 from vector<16xf32>
    %eq3A_125 = arith.constant 12 : i32
    %eq3A_126 = vector.broadcast %eq3A_125 : i32 to vector<16xi32>
    %eq3A_127 = arith.cmpi eq, %iota3A, %eq3A_126 : vector<16xi32>
    %jit3A_128 = arith.constant 0.000000e+00 : f32
    %broadcast_in_dim3A_129 = vector.broadcast %jit3A_128 : f32 to vector<16xf32>
    %select_n3A_130 = arith.select %eq3A_127, %get3A_3, %broadcast_in_dim3A_129 : vector<16xi1>, vector<16xf32>
    %reduce_sum3A_131 = arith.constant true
    %reduce_sum3A_132 = vector.broadcast %reduce_sum3A_131 : i1 to vector<16xi1>
    %reduce_sum3A_133 = tpu.scan <sum>, %select_n3A_130 masked %reduce_sum3A_132 : vector<16xf32>, vector<16xi1> -> vector<16xf32>
    %reduce_sum3A_134 = vector.extract %reduce_sum3A_133[15] : f32 from vector<16xf32>
    %eq3A_135 = arith.constant 13 : i32
    %eq3A_136 = vector.broadcast %eq3A_135 : i32 to vector<16xi32>
    %eq3A_137 = arith.cmpi eq, %iota3A, %eq3A_136 : vector<16xi32>
    %jit3A_138 = arith.constant 0.000000e+00 : f32
    %broadcast_in_dim3A_139 = vector.broadcast %jit3A_138 : f32 to vector<16xf32>
    %select_n3A_140 = arith.select %eq3A_137, %get3A_3, %broadcast_in_dim3A_139 : vector<16xi1>, vector<16xf32>
    %reduce_sum3A_141 = arith.constant true
    %reduce_sum3A_142 = vector.broadcast %reduce_sum3A_141 : i1 to vector<16xi1>
    %reduce_sum3A_143 = tpu.scan <sum>, %select_n3A_140 masked %reduce_sum3A_142 : vector<16xf32>, vector<16xi1> -> vector<16xf32>
    %reduce_sum3A_144 = vector.extract %reduce_sum3A_143[15] : f32 from vector<16xf32>
    %eq3A_145 = arith.constant 14 : i32
    %eq3A_146 = vector.broadcast %eq3A_145 : i32 to vector<16xi32>
    %eq3A_147 = arith.cmpi eq, %iota3A, %eq3A_146 : vector<16xi32>
    %jit3A_148 = arith.constant 0.000000e+00 : f32
    %broadcast_in_dim3A_149 = vector.broadcast %jit3A_148 : f32 to vector<16xf32>
    %select_n3A_150 = arith.select %eq3A_147, %get3A_3, %broadcast_in_dim3A_149 : vector<16xi1>, vector<16xf32>
    %reduce_sum3A_151 = arith.constant true
    %reduce_sum3A_152 = vector.broadcast %reduce_sum3A_151 : i1 to vector<16xi1>
    %reduce_sum3A_153 = tpu.scan <sum>, %select_n3A_150 masked %reduce_sum3A_152 : vector<16xf32>, vector<16xi1> -> vector<16xf32>
    %reduce_sum3A_154 = vector.extract %reduce_sum3A_153[15] : f32 from vector<16xf32>
    %eq3A_155 = arith.constant 15 : i32
    %eq3A_156 = vector.broadcast %eq3A_155 : i32 to vector<16xi32>
    %eq3A_157 = arith.cmpi eq, %iota3A, %eq3A_156 : vector<16xi32>
    %jit3A_158 = arith.constant 0.000000e+00 : f32
    %broadcast_in_dim3A_159 = vector.broadcast %jit3A_158 : f32 to vector<16xf32>
    %select_n3A_160 = arith.select %eq3A_157, %get3A_3, %broadcast_in_dim3A_159 : vector<16xi1>, vector<16xf32>
    %reduce_sum3A_161 = arith.constant true
    %reduce_sum3A_162 = vector.broadcast %reduce_sum3A_161 : i1 to vector<16xi1>
    %reduce_sum3A_163 = tpu.scan <sum>, %select_n3A_160 masked %reduce_sum3A_162 : vector<16xf32>, vector<16xi1> -> vector<16xf32>
    %reduce_sum3A_164 = vector.extract %reduce_sum3A_163[15] : f32 from vector<16xf32>
    %eq3A_165 = arith.constant 0 : i32
    %eq3A_166 = vector.broadcast %eq3A_165 : i32 to vector<16xi32>
    %eq3A_167 = arith.cmpi eq, %iota3A, %eq3A_166 : vector<16xi32>
    %jit3A_168 = arith.constant 0.000000e+00 : f32
    %broadcast_in_dim3A_169 = vector.broadcast %jit3A_168 : f32 to vector<16xf32>
    %select_n3A_170 = arith.select %eq3A_167, %get3A_5, %broadcast_in_dim3A_169 : vector<16xi1>, vector<16xf32>
    %reduce_sum3A_171 = arith.constant true
    %reduce_sum3A_172 = vector.broadcast %reduce_sum3A_171 : i1 to vector<16xi1>
    %reduce_sum3A_173 = tpu.scan <sum>, %select_n3A_170 masked %reduce_sum3A_172 : vector<16xf32>, vector<16xi1> -> vector<16xf32>
    %reduce_sum3A_174 = vector.extract %reduce_sum3A_173[15] : f32 from vector<16xf32>
    %eq3A_175 = arith.constant 1 : i32
    %eq3A_176 = vector.broadcast %eq3A_175 : i32 to vector<16xi32>
    %eq3A_177 = arith.cmpi eq, %iota3A, %eq3A_176 : vector<16xi32>
    %jit3A_178 = arith.constant 0.000000e+00 : f32
    %broadcast_in_dim3A_179 = vector.broadcast %jit3A_178 : f32 to vector<16xf32>
    %select_n3A_180 = arith.select %eq3A_177, %get3A_5, %broadcast_in_dim3A_179 : vector<16xi1>, vector<16xf32>
    %reduce_sum3A_181 = arith.constant true
    %reduce_sum3A_182 = vector.broadcast %reduce_sum3A_181 : i1 to vector<16xi1>
    %reduce_sum3A_183 = tpu.scan <sum>, %select_n3A_180 masked %reduce_sum3A_182 : vector<16xf32>, vector<16xi1> -> vector<16xf32>
    %reduce_sum3A_184 = vector.extract %reduce_sum3A_183[15] : f32 from vector<16xf32>
    %eq3A_185 = arith.constant 2 : i32
    %eq3A_186 = vector.broadcast %eq3A_185 : i32 to vector<16xi32>
    %eq3A_187 = arith.cmpi eq, %iota3A, %eq3A_186 : vector<16xi32>
    %jit3A_188 = arith.constant 0.000000e+00 : f32
    %broadcast_in_dim3A_189 = vector.broadcast %jit3A_188 : f32 to vector<16xf32>
    %select_n3A_190 = arith.select %eq3A_187, %get3A_5, %broadcast_in_dim3A_189 : vector<16xi1>, vector<16xf32>
    %reduce_sum3A_191 = arith.constant true
    %reduce_sum3A_192 = vector.broadcast %reduce_sum3A_191 : i1 to vector<16xi1>
    %reduce_sum3A_193 = tpu.scan <sum>, %select_n3A_190 masked %reduce_sum3A_192 : vector<16xf32>, vector<16xi1> -> vector<16xf32>
    %reduce_sum3A_194 = vector.extract %reduce_sum3A_193[15] : f32 from vector<16xf32>
    %eq3A_195 = arith.constant 3 : i32
    %eq3A_196 = vector.broadcast %eq3A_195 : i32 to vector<16xi32>
    %eq3A_197 = arith.cmpi eq, %iota3A, %eq3A_196 : vector<16xi32>
    %jit3A_198 = arith.constant 0.000000e+00 : f32
    %broadcast_in_dim3A_199 = vector.broadcast %jit3A_198 : f32 to vector<16xf32>
    %select_n3A_200 = arith.select %eq3A_197, %get3A_5, %broadcast_in_dim3A_199 : vector<16xi1>, vector<16xf32>
    %reduce_sum3A_201 = arith.constant true
    %reduce_sum3A_202 = vector.broadcast %reduce_sum3A_201 : i1 to vector<16xi1>
    %reduce_sum3A_203 = tpu.scan <sum>, %select_n3A_200 masked %reduce_sum3A_202 : vector<16xf32>, vector<16xi1> -> vector<16xf32>
    %reduce_sum3A_204 = vector.extract %reduce_sum3A_203[15] : f32 from vector<16xf32>
    %eq3A_205 = arith.constant 4 : i32
    %eq3A_206 = vector.broadcast %eq3A_205 : i32 to vector<16xi32>
    %eq3A_207 = arith.cmpi eq, %iota3A, %eq3A_206 : vector<16xi32>
    %jit3A_208 = arith.constant 0.000000e+00 : f32
    %broadcast_in_dim3A_209 = vector.broadcast %jit3A_208 : f32 to vector<16xf32>
    %select_n3A_210 = arith.select %eq3A_207, %get3A_5, %broadcast_in_dim3A_209 : vector<16xi1>, vector<16xf32>
    %reduce_sum3A_211 = arith.constant true
    %reduce_sum3A_212 = vector.broadcast %reduce_sum3A_211 : i1 to vector<16xi1>
    %reduce_sum3A_213 = tpu.scan <sum>, %select_n3A_210 masked %reduce_sum3A_212 : vector<16xf32>, vector<16xi1> -> vector<16xf32>
    %reduce_sum3A_214 = vector.extract %reduce_sum3A_213[15] : f32 from vector<16xf32>
    %eq3A_215 = arith.constant 5 : i32
    %eq3A_216 = vector.broadcast %eq3A_215 : i32 to vector<16xi32>
    %eq3A_217 = arith.cmpi eq, %iota3A, %eq3A_216 : vector<16xi32>
    %jit3A_218 = arith.constant 0.000000e+00 : f32
    %broadcast_in_dim3A_219 = vector.broadcast %jit3A_218 : f32 to vector<16xf32>
    %select_n3A_220 = arith.select %eq3A_217, %get3A_5, %broadcast_in_dim3A_219 : vector<16xi1>, vector<16xf32>
    %reduce_sum3A_221 = arith.constant true
    %reduce_sum3A_222 = vector.broadcast %reduce_sum3A_221 : i1 to vector<16xi1>
    %reduce_sum3A_223 = tpu.scan <sum>, %select_n3A_220 masked %reduce_sum3A_222 : vector<16xf32>, vector<16xi1> -> vector<16xf32>
    %reduce_sum3A_224 = vector.extract %reduce_sum3A_223[15] : f32 from vector<16xf32>
    %eq3A_225 = arith.constant 6 : i32
    %eq3A_226 = vector.broadcast %eq3A_225 : i32 to vector<16xi32>
    %eq3A_227 = arith.cmpi eq, %iota3A, %eq3A_226 : vector<16xi32>
    %jit3A_228 = arith.constant 0.000000e+00 : f32
    %broadcast_in_dim3A_229 = vector.broadcast %jit3A_228 : f32 to vector<16xf32>
    %select_n3A_230 = arith.select %eq3A_227, %get3A_5, %broadcast_in_dim3A_229 : vector<16xi1>, vector<16xf32>
    %reduce_sum3A_231 = arith.constant true
    %reduce_sum3A_232 = vector.broadcast %reduce_sum3A_231 : i1 to vector<16xi1>
    %reduce_sum3A_233 = tpu.scan <sum>, %select_n3A_230 masked %reduce_sum3A_232 : vector<16xf32>, vector<16xi1> -> vector<16xf32>
    %reduce_sum3A_234 = vector.extract %reduce_sum3A_233[15] : f32 from vector<16xf32>
    %eq3A_235 = arith.constant 7 : i32
    %eq3A_236 = vector.broadcast %eq3A_235 : i32 to vector<16xi32>
    %eq3A_237 = arith.cmpi eq, %iota3A, %eq3A_236 : vector<16xi32>
    %jit3A_238 = arith.constant 0.000000e+00 : f32
    %broadcast_in_dim3A_239 = vector.broadcast %jit3A_238 : f32 to vector<16xf32>
    %select_n3A_240 = arith.select %eq3A_237, %get3A_5, %broadcast_in_dim3A_239 : vector<16xi1>, vector<16xf32>
    %reduce_sum3A_241 = arith.constant true
    %reduce_sum3A_242 = vector.broadcast %reduce_sum3A_241 : i1 to vector<16xi1>
    %reduce_sum3A_243 = tpu.scan <sum>, %select_n3A_240 masked %reduce_sum3A_242 : vector<16xf32>, vector<16xi1> -> vector<16xf32>
    %reduce_sum3A_244 = vector.extract %reduce_sum3A_243[15] : f32 from vector<16xf32>
    %eq3A_245 = arith.constant 8 : i32
    %eq3A_246 = vector.broadcast %eq3A_245 : i32 to vector<16xi32>
    %eq3A_247 = arith.cmpi eq, %iota3A, %eq3A_246 : vector<16xi32>
    %jit3A_248 = arith.constant 0.000000e+00 : f32
    %broadcast_in_dim3A_249 = vector.broadcast %jit3A_248 : f32 to vector<16xf32>
    %select_n3A_250 = arith.select %eq3A_247, %get3A_5, %broadcast_in_dim3A_249 : vector<16xi1>, vector<16xf32>
    %reduce_sum3A_251 = arith.constant true
    %reduce_sum3A_252 = vector.broadcast %reduce_sum3A_251 : i1 to vector<16xi1>
    %reduce_sum3A_253 = tpu.scan <sum>, %select_n3A_250 masked %reduce_sum3A_252 : vector<16xf32>, vector<16xi1> -> vector<16xf32>
    %reduce_sum3A_254 = vector.extract %reduce_sum3A_253[15] : f32 from vector<16xf32>
    %eq3A_255 = arith.constant 9 : i32
    %eq3A_256 = vector.broadcast %eq3A_255 : i32 to vector<16xi32>
    %eq3A_257 = arith.cmpi eq, %iota3A, %eq3A_256 : vector<16xi32>
    %jit3A_258 = arith.constant 0.000000e+00 : f32
    %broadcast_in_dim3A_259 = vector.broadcast %jit3A_258 : f32 to vector<16xf32>
    %select_n3A_260 = arith.select %eq3A_257, %get3A_5, %broadcast_in_dim3A_259 : vector<16xi1>, vector<16xf32>
    %reduce_sum3A_261 = arith.constant true
    %reduce_sum3A_262 = vector.broadcast %reduce_sum3A_261 : i1 to vector<16xi1>
    %reduce_sum3A_263 = tpu.scan <sum>, %select_n3A_260 masked %reduce_sum3A_262 : vector<16xf32>, vector<16xi1> -> vector<16xf32>
    %reduce_sum3A_264 = vector.extract %reduce_sum3A_263[15] : f32 from vector<16xf32>
    %eq3A_265 = arith.constant 10 : i32
    %eq3A_266 = vector.broadcast %eq3A_265 : i32 to vector<16xi32>
    %eq3A_267 = arith.cmpi eq, %iota3A, %eq3A_266 : vector<16xi32>
    %jit3A_268 = arith.constant 0.000000e+00 : f32
    %broadcast_in_dim3A_269 = vector.broadcast %jit3A_268 : f32 to vector<16xf32>
    %select_n3A_270 = arith.select %eq3A_267, %get3A_5, %broadcast_in_dim3A_269 : vector<16xi1>, vector<16xf32>
    %reduce_sum3A_271 = arith.constant true
    %reduce_sum3A_272 = vector.broadcast %reduce_sum3A_271 : i1 to vector<16xi1>
    %reduce_sum3A_273 = tpu.scan <sum>, %select_n3A_270 masked %reduce_sum3A_272 : vector<16xf32>, vector<16xi1> -> vector<16xf32>
    %reduce_sum3A_274 = vector.extract %reduce_sum3A_273[15] : f32 from vector<16xf32>
    %eq3A_275 = arith.constant 11 : i32
    %eq3A_276 = vector.broadcast %eq3A_275 : i32 to vector<16xi32>
    %eq3A_277 = arith.cmpi eq, %iota3A, %eq3A_276 : vector<16xi32>
    %jit3A_278 = arith.constant 0.000000e+00 : f32
    %broadcast_in_dim3A_279 = vector.broadcast %jit3A_278 : f32 to vector<16xf32>
    %select_n3A_280 = arith.select %eq3A_277, %get3A_5, %broadcast_in_dim3A_279 : vector<16xi1>, vector<16xf32>
    %reduce_sum3A_281 = arith.constant true
    %reduce_sum3A_282 = vector.broadcast %reduce_sum3A_281 : i1 to vector<16xi1>
    %reduce_sum3A_283 = tpu.scan <sum>, %select_n3A_280 masked %reduce_sum3A_282 : vector<16xf32>, vector<16xi1> -> vector<16xf32>
    %reduce_sum3A_284 = vector.extract %reduce_sum3A_283[15] : f32 from vector<16xf32>
    %eq3A_285 = arith.constant 12 : i32
    %eq3A_286 = vector.broadcast %eq3A_285 : i32 to vector<16xi32>
    %eq3A_287 = arith.cmpi eq, %iota3A, %eq3A_286 : vector<16xi32>
    %jit3A_288 = arith.constant 0.000000e+00 : f32
    %broadcast_in_dim3A_289 = vector.broadcast %jit3A_288 : f32 to vector<16xf32>
    %select_n3A_290 = arith.select %eq3A_287, %get3A_5, %broadcast_in_dim3A_289 : vector<16xi1>, vector<16xf32>
    %reduce_sum3A_291 = arith.constant true
    %reduce_sum3A_292 = vector.broadcast %reduce_sum3A_291 : i1 to vector<16xi1>
    %reduce_sum3A_293 = tpu.scan <sum>, %select_n3A_290 masked %reduce_sum3A_292 : vector<16xf32>, vector<16xi1> -> vector<16xf32>
    %reduce_sum3A_294 = vector.extract %reduce_sum3A_293[15] : f32 from vector<16xf32>
    %eq3A_295 = arith.constant 13 : i32
    %eq3A_296 = vector.broadcast %eq3A_295 : i32 to vector<16xi32>
    %eq3A_297 = arith.cmpi eq, %iota3A, %eq3A_296 : vector<16xi32>
    %jit3A_298 = arith.constant 0.000000e+00 : f32
    %broadcast_in_dim3A_299 = vector.broadcast %jit3A_298 : f32 to vector<16xf32>
    %select_n3A_300 = arith.select %eq3A_297, %get3A_5, %broadcast_in_dim3A_299 : vector<16xi1>, vector<16xf32>
    %reduce_sum3A_301 = arith.constant true
    %reduce_sum3A_302 = vector.broadcast %reduce_sum3A_301 : i1 to vector<16xi1>
    %reduce_sum3A_303 = tpu.scan <sum>, %select_n3A_300 masked %reduce_sum3A_302 : vector<16xf32>, vector<16xi1> -> vector<16xf32>
    %reduce_sum3A_304 = vector.extract %reduce_sum3A_303[15] : f32 from vector<16xf32>
    %eq3A_305 = arith.constant 14 : i32
    %eq3A_306 = vector.broadcast %eq3A_305 : i32 to vector<16xi32>
    %eq3A_307 = arith.cmpi eq, %iota3A, %eq3A_306 : vector<16xi32>
    %jit3A_308 = arith.constant 0.000000e+00 : f32
    %broadcast_in_dim3A_309 = vector.broadcast %jit3A_308 : f32 to vector<16xf32>
    %select_n3A_310 = arith.select %eq3A_307, %get3A_5, %broadcast_in_dim3A_309 : vector<16xi1>, vector<16xf32>
    %reduce_sum3A_311 = arith.constant true
    %reduce_sum3A_312 = vector.broadcast %reduce_sum3A_311 : i1 to vector<16xi1>
    %reduce_sum3A_313 = tpu.scan <sum>, %select_n3A_310 masked %reduce_sum3A_312 : vector<16xf32>, vector<16xi1> -> vector<16xf32>
    %reduce_sum3A_314 = vector.extract %reduce_sum3A_313[15] : f32 from vector<16xf32>
    %eq3A_315 = arith.constant 15 : i32
    %eq3A_316 = vector.broadcast %eq3A_315 : i32 to vector<16xi32>
    %eq3A_317 = arith.cmpi eq, %iota3A, %eq3A_316 : vector<16xi32>
    %jit3A_318 = arith.constant 0.000000e+00 : f32
    %broadcast_in_dim3A_319 = vector.broadcast %jit3A_318 : f32 to vector<16xf32>
    %select_n3A_320 = arith.select %eq3A_317, %get3A_5, %broadcast_in_dim3A_319 : vector<16xi1>, vector<16xf32>
    %reduce_sum3A_321 = arith.constant true
    %reduce_sum3A_322 = vector.broadcast %reduce_sum3A_321 : i1 to vector<16xi1>
    %reduce_sum3A_323 = tpu.scan <sum>, %select_n3A_320 masked %reduce_sum3A_322 : vector<16xf32>, vector<16xi1> -> vector<16xf32>
    %reduce_sum3A_324 = vector.extract %reduce_sum3A_323[15] : f32 from vector<16xf32>
    %eq3A_325 = arith.constant 0 : i32
    %eq3A_326 = vector.broadcast %eq3A_325 : i32 to vector<16xi32>
    %eq3A_327 = arith.cmpi eq, %iota3A, %eq3A_326 : vector<16xi32>
    %jit3A_328 = arith.constant 0.000000e+00 : f32
    %broadcast_in_dim3A_329 = vector.broadcast %jit3A_328 : f32 to vector<16xf32>
    %select_n3A_330 = arith.select %eq3A_327, %get3A_7, %broadcast_in_dim3A_329 : vector<16xi1>, vector<16xf32>
    %reduce_sum3A_331 = arith.constant true
    %reduce_sum3A_332 = vector.broadcast %reduce_sum3A_331 : i1 to vector<16xi1>
    %reduce_sum3A_333 = tpu.scan <sum>, %select_n3A_330 masked %reduce_sum3A_332 : vector<16xf32>, vector<16xi1> -> vector<16xf32>
    %reduce_sum3A_334 = vector.extract %reduce_sum3A_333[15] : f32 from vector<16xf32>
    %eq3A_335 = arith.constant 1 : i32
    %eq3A_336 = vector.broadcast %eq3A_335 : i32 to vector<16xi32>
    %eq3A_337 = arith.cmpi eq, %iota3A, %eq3A_336 : vector<16xi32>
    %jit3A_338 = arith.constant 0.000000e+00 : f32
    %broadcast_in_dim3A_339 = vector.broadcast %jit3A_338 : f32 to vector<16xf32>
    %select_n3A_340 = arith.select %eq3A_337, %get3A_7, %broadcast_in_dim3A_339 : vector<16xi1>, vector<16xf32>
    %reduce_sum3A_341 = arith.constant true
    %reduce_sum3A_342 = vector.broadcast %reduce_sum3A_341 : i1 to vector<16xi1>
    %reduce_sum3A_343 = tpu.scan <sum>, %select_n3A_340 masked %reduce_sum3A_342 : vector<16xf32>, vector<16xi1> -> vector<16xf32>
    %reduce_sum3A_344 = vector.extract %reduce_sum3A_343[15] : f32 from vector<16xf32>
    %eq3A_345 = arith.constant 2 : i32
    %eq3A_346 = vector.broadcast %eq3A_345 : i32 to vector<16xi32>
    %eq3A_347 = arith.cmpi eq, %iota3A, %eq3A_346 : vector<16xi32>
    %jit3A_348 = arith.constant 0.000000e+00 : f32
    %broadcast_in_dim3A_349 = vector.broadcast %jit3A_348 : f32 to vector<16xf32>
    %select_n3A_350 = arith.select %eq3A_347, %get3A_7, %broadcast_in_dim3A_349 : vector<16xi1>, vector<16xf32>
    %reduce_sum3A_351 = arith.constant true
    %reduce_sum3A_352 = vector.broadcast %reduce_sum3A_351 : i1 to vector<16xi1>
    %reduce_sum3A_353 = tpu.scan <sum>, %select_n3A_350 masked %reduce_sum3A_352 : vector<16xf32>, vector<16xi1> -> vector<16xf32>
    %reduce_sum3A_354 = vector.extract %reduce_sum3A_353[15] : f32 from vector<16xf32>
    %eq3A_355 = arith.constant 3 : i32
    %eq3A_356 = vector.broadcast %eq3A_355 : i32 to vector<16xi32>
    %eq3A_357 = arith.cmpi eq, %iota3A, %eq3A_356 : vector<16xi32>
    %jit3A_358 = arith.constant 0.000000e+00 : f32
    %broadcast_in_dim3A_359 = vector.broadcast %jit3A_358 : f32 to vector<16xf32>
    %select_n3A_360 = arith.select %eq3A_357, %get3A_7, %broadcast_in_dim3A_359 : vector<16xi1>, vector<16xf32>
    %reduce_sum3A_361 = arith.constant true
    %reduce_sum3A_362 = vector.broadcast %reduce_sum3A_361 : i1 to vector<16xi1>
    %reduce_sum3A_363 = tpu.scan <sum>, %select_n3A_360 masked %reduce_sum3A_362 : vector<16xf32>, vector<16xi1> -> vector<16xf32>
    %reduce_sum3A_364 = vector.extract %reduce_sum3A_363[15] : f32 from vector<16xf32>
    %eq3A_365 = arith.constant 4 : i32
    %eq3A_366 = vector.broadcast %eq3A_365 : i32 to vector<16xi32>
    %eq3A_367 = arith.cmpi eq, %iota3A, %eq3A_366 : vector<16xi32>
    %jit3A_368 = arith.constant 0.000000e+00 : f32
    %broadcast_in_dim3A_369 = vector.broadcast %jit3A_368 : f32 to vector<16xf32>
    %select_n3A_370 = arith.select %eq3A_367, %get3A_7, %broadcast_in_dim3A_369 : vector<16xi1>, vector<16xf32>
    %reduce_sum3A_371 = arith.constant true
    %reduce_sum3A_372 = vector.broadcast %reduce_sum3A_371 : i1 to vector<16xi1>
    %reduce_sum3A_373 = tpu.scan <sum>, %select_n3A_370 masked %reduce_sum3A_372 : vector<16xf32>, vector<16xi1> -> vector<16xf32>
    %reduce_sum3A_374 = vector.extract %reduce_sum3A_373[15] : f32 from vector<16xf32>
    %eq3A_375 = arith.constant 5 : i32
    %eq3A_376 = vector.broadcast %eq3A_375 : i32 to vector<16xi32>
    %eq3A_377 = arith.cmpi eq, %iota3A, %eq3A_376 : vector<16xi32>
    %jit3A_378 = arith.constant 0.000000e+00 : f32
    %broadcast_in_dim3A_379 = vector.broadcast %jit3A_378 : f32 to vector<16xf32>
    %select_n3A_380 = arith.select %eq3A_377, %get3A_7, %broadcast_in_dim3A_379 : vector<16xi1>, vector<16xf32>
    %reduce_sum3A_381 = arith.constant true
    %reduce_sum3A_382 = vector.broadcast %reduce_sum3A_381 : i1 to vector<16xi1>
    %reduce_sum3A_383 = tpu.scan <sum>, %select_n3A_380 masked %reduce_sum3A_382 : vector<16xf32>, vector<16xi1> -> vector<16xf32>
    %reduce_sum3A_384 = vector.extract %reduce_sum3A_383[15] : f32 from vector<16xf32>
    %eq3A_385 = arith.constant 6 : i32
    %eq3A_386 = vector.broadcast %eq3A_385 : i32 to vector<16xi32>
    %eq3A_387 = arith.cmpi eq, %iota3A, %eq3A_386 : vector<16xi32>
    %jit3A_388 = arith.constant 0.000000e+00 : f32
    %broadcast_in_dim3A_389 = vector.broadcast %jit3A_388 : f32 to vector<16xf32>
    %select_n3A_390 = arith.select %eq3A_387, %get3A_7, %broadcast_in_dim3A_389 : vector<16xi1>, vector<16xf32>
    %reduce_sum3A_391 = arith.constant true
    %reduce_sum3A_392 = vector.broadcast %reduce_sum3A_391 : i1 to vector<16xi1>
    %reduce_sum3A_393 = tpu.scan <sum>, %select_n3A_390 masked %reduce_sum3A_392 : vector<16xf32>, vector<16xi1> -> vector<16xf32>
    %reduce_sum3A_394 = vector.extract %reduce_sum3A_393[15] : f32 from vector<16xf32>
    %eq3A_395 = arith.constant 7 : i32
    %eq3A_396 = vector.broadcast %eq3A_395 : i32 to vector<16xi32>
    %eq3A_397 = arith.cmpi eq, %iota3A, %eq3A_396 : vector<16xi32>
    %jit3A_398 = arith.constant 0.000000e+00 : f32
    %broadcast_in_dim3A_399 = vector.broadcast %jit3A_398 : f32 to vector<16xf32>
    %select_n3A_400 = arith.select %eq3A_397, %get3A_7, %broadcast_in_dim3A_399 : vector<16xi1>, vector<16xf32>
    %reduce_sum3A_401 = arith.constant true
    %reduce_sum3A_402 = vector.broadcast %reduce_sum3A_401 : i1 to vector<16xi1>
    %reduce_sum3A_403 = tpu.scan <sum>, %select_n3A_400 masked %reduce_sum3A_402 : vector<16xf32>, vector<16xi1> -> vector<16xf32>
    %reduce_sum3A_404 = vector.extract %reduce_sum3A_403[15] : f32 from vector<16xf32>
    %eq3A_405 = arith.constant 8 : i32
    %eq3A_406 = vector.broadcast %eq3A_405 : i32 to vector<16xi32>
    %eq3A_407 = arith.cmpi eq, %iota3A, %eq3A_406 : vector<16xi32>
    %jit3A_408 = arith.constant 0.000000e+00 : f32
    %broadcast_in_dim3A_409 = vector.broadcast %jit3A_408 : f32 to vector<16xf32>
    %select_n3A_410 = arith.select %eq3A_407, %get3A_7, %broadcast_in_dim3A_409 : vector<16xi1>, vector<16xf32>
    %reduce_sum3A_411 = arith.constant true
    %reduce_sum3A_412 = vector.broadcast %reduce_sum3A_411 : i1 to vector<16xi1>
    %reduce_sum3A_413 = tpu.scan <sum>, %select_n3A_410 masked %reduce_sum3A_412 : vector<16xf32>, vector<16xi1> -> vector<16xf32>
    %reduce_sum3A_414 = vector.extract %reduce_sum3A_413[15] : f32 from vector<16xf32>
    %eq3A_415 = arith.constant 9 : i32
    %eq3A_416 = vector.broadcast %eq3A_415 : i32 to vector<16xi32>
    %eq3A_417 = arith.cmpi eq, %iota3A, %eq3A_416 : vector<16xi32>
    %jit3A_418 = arith.constant 0.000000e+00 : f32
    %broadcast_in_dim3A_419 = vector.broadcast %jit3A_418 : f32 to vector<16xf32>
    %select_n3A_420 = arith.select %eq3A_417, %get3A_7, %broadcast_in_dim3A_419 : vector<16xi1>, vector<16xf32>
    %reduce_sum3A_421 = arith.constant true
    %reduce_sum3A_422 = vector.broadcast %reduce_sum3A_421 : i1 to vector<16xi1>
    %reduce_sum3A_423 = tpu.scan <sum>, %select_n3A_420 masked %reduce_sum3A_422 : vector<16xf32>, vector<16xi1> -> vector<16xf32>
    %reduce_sum3A_424 = vector.extract %reduce_sum3A_423[15] : f32 from vector<16xf32>
    %eq3A_425 = arith.constant 10 : i32
    %eq3A_426 = vector.broadcast %eq3A_425 : i32 to vector<16xi32>
    %eq3A_427 = arith.cmpi eq, %iota3A, %eq3A_426 : vector<16xi32>
    %jit3A_428 = arith.constant 0.000000e+00 : f32
    %broadcast_in_dim3A_429 = vector.broadcast %jit3A_428 : f32 to vector<16xf32>
    %select_n3A_430 = arith.select %eq3A_427, %get3A_7, %broadcast_in_dim3A_429 : vector<16xi1>, vector<16xf32>
    %reduce_sum3A_431 = arith.constant true
    %reduce_sum3A_432 = vector.broadcast %reduce_sum3A_431 : i1 to vector<16xi1>
    %reduce_sum3A_433 = tpu.scan <sum>, %select_n3A_430 masked %reduce_sum3A_432 : vector<16xf32>, vector<16xi1> -> vector<16xf32>
    %reduce_sum3A_434 = vector.extract %reduce_sum3A_433[15] : f32 from vector<16xf32>
    %eq3A_435 = arith.constant 11 : i32
    %eq3A_436 = vector.broadcast %eq3A_435 : i32 to vector<16xi32>
    %eq3A_437 = arith.cmpi eq, %iota3A, %eq3A_436 : vector<16xi32>
    %jit3A_438 = arith.constant 0.000000e+00 : f32
    %broadcast_in_dim3A_439 = vector.broadcast %jit3A_438 : f32 to vector<16xf32>
    %select_n3A_440 = arith.select %eq3A_437, %get3A_7, %broadcast_in_dim3A_439 : vector<16xi1>, vector<16xf32>
    %reduce_sum3A_441 = arith.constant true
    %reduce_sum3A_442 = vector.broadcast %reduce_sum3A_441 : i1 to vector<16xi1>
    %reduce_sum3A_443 = tpu.scan <sum>, %select_n3A_440 masked %reduce_sum3A_442 : vector<16xf32>, vector<16xi1> -> vector<16xf32>
    %reduce_sum3A_444 = vector.extract %reduce_sum3A_443[15] : f32 from vector<16xf32>
    %eq3A_445 = arith.constant 12 : i32
    %eq3A_446 = vector.broadcast %eq3A_445 : i32 to vector<16xi32>
    %eq3A_447 = arith.cmpi eq, %iota3A, %eq3A_446 : vector<16xi32>
    %jit3A_448 = arith.constant 0.000000e+00 : f32
    %broadcast_in_dim3A_449 = vector.broadcast %jit3A_448 : f32 to vector<16xf32>
    %select_n3A_450 = arith.select %eq3A_447, %get3A_7, %broadcast_in_dim3A_449 : vector<16xi1>, vector<16xf32>
    %reduce_sum3A_451 = arith.constant true
    %reduce_sum3A_452 = vector.broadcast %reduce_sum3A_451 : i1 to vector<16xi1>
    %reduce_sum3A_453 = tpu.scan <sum>, %select_n3A_450 masked %reduce_sum3A_452 : vector<16xf32>, vector<16xi1> -> vector<16xf32>
    %reduce_sum3A_454 = vector.extract %reduce_sum3A_453[15] : f32 from vector<16xf32>
    %eq3A_455 = arith.constant 13 : i32
    %eq3A_456 = vector.broadcast %eq3A_455 : i32 to vector<16xi32>
    %eq3A_457 = arith.cmpi eq, %iota3A, %eq3A_456 : vector<16xi32>
    %jit3A_458 = arith.constant 0.000000e+00 : f32
    %broadcast_in_dim3A_459 = vector.broadcast %jit3A_458 : f32 to vector<16xf32>
    %select_n3A_460 = arith.select %eq3A_457, %get3A_7, %broadcast_in_dim3A_459 : vector<16xi1>, vector<16xf32>
    %reduce_sum3A_461 = arith.constant true
    %reduce_sum3A_462 = vector.broadcast %reduce_sum3A_461 : i1 to vector<16xi1>
    %reduce_sum3A_463 = tpu.scan <sum>, %select_n3A_460 masked %reduce_sum3A_462 : vector<16xf32>, vector<16xi1> -> vector<16xf32>
    %reduce_sum3A_464 = vector.extract %reduce_sum3A_463[15] : f32 from vector<16xf32>
    %eq3A_465 = arith.constant 14 : i32
    %eq3A_466 = vector.broadcast %eq3A_465 : i32 to vector<16xi32>
    %eq3A_467 = arith.cmpi eq, %iota3A, %eq3A_466 : vector<16xi32>
    %jit3A_468 = arith.constant 0.000000e+00 : f32
    %broadcast_in_dim3A_469 = vector.broadcast %jit3A_468 : f32 to vector<16xf32>
    %select_n3A_470 = arith.select %eq3A_467, %get3A_7, %broadcast_in_dim3A_469 : vector<16xi1>, vector<16xf32>
    %reduce_sum3A_471 = arith.constant true
    %reduce_sum3A_472 = vector.broadcast %reduce_sum3A_471 : i1 to vector<16xi1>
    %reduce_sum3A_473 = tpu.scan <sum>, %select_n3A_470 masked %reduce_sum3A_472 : vector<16xf32>, vector<16xi1> -> vector<16xf32>
    %reduce_sum3A_474 = vector.extract %reduce_sum3A_473[15] : f32 from vector<16xf32>
    %eq3A_475 = arith.constant 15 : i32
    %eq3A_476 = vector.broadcast %eq3A_475 : i32 to vector<16xi32>
    %eq3A_477 = arith.cmpi eq, %iota3A, %eq3A_476 : vector<16xi32>
    %jit3A_478 = arith.constant 0.000000e+00 : f32
    %broadcast_in_dim3A_479 = vector.broadcast %jit3A_478 : f32 to vector<16xf32>
    %select_n3A_480 = arith.select %eq3A_477, %get3A_7, %broadcast_in_dim3A_479 : vector<16xi1>, vector<16xf32>
    %reduce_sum3A_481 = arith.constant true
    %reduce_sum3A_482 = vector.broadcast %reduce_sum3A_481 : i1 to vector<16xi1>
    %reduce_sum3A_483 = tpu.scan <sum>, %select_n3A_480 masked %reduce_sum3A_482 : vector<16xf32>, vector<16xi1> -> vector<16xf32>
    %reduce_sum3A_484 = vector.extract %reduce_sum3A_483[15] : f32 from vector<16xf32>
    %eq3A_485 = arith.constant 0 : i32
    %eq3A_486 = vector.broadcast %eq3A_485 : i32 to vector<16xi32>
    %eq3A_487 = arith.cmpi eq, %iota3A, %eq3A_486 : vector<16xi32>
    %jit3A_488 = arith.constant 0.000000e+00 : f32
    %broadcast_in_dim3A_489 = vector.broadcast %jit3A_488 : f32 to vector<16xf32>
    %select_n3A_490 = arith.select %eq3A_487, %get3A_9, %broadcast_in_dim3A_489 : vector<16xi1>, vector<16xf32>
    %reduce_sum3A_491 = arith.constant true
    %reduce_sum3A_492 = vector.broadcast %reduce_sum3A_491 : i1 to vector<16xi1>
    %reduce_sum3A_493 = tpu.scan <sum>, %select_n3A_490 masked %reduce_sum3A_492 : vector<16xf32>, vector<16xi1> -> vector<16xf32>
    %reduce_sum3A_494 = vector.extract %reduce_sum3A_493[15] : f32 from vector<16xf32>
    %eq3A_495 = arith.constant 1 : i32
    %eq3A_496 = vector.broadcast %eq3A_495 : i32 to vector<16xi32>
    %eq3A_497 = arith.cmpi eq, %iota3A, %eq3A_496 : vector<16xi32>
    %jit3A_498 = arith.constant 0.000000e+00 : f32
    %broadcast_in_dim3A_499 = vector.broadcast %jit3A_498 : f32 to vector<16xf32>
    %select_n3A_500 = arith.select %eq3A_497, %get3A_9, %broadcast_in_dim3A_499 : vector<16xi1>, vector<16xf32>
    %reduce_sum3A_501 = arith.constant true
    %reduce_sum3A_502 = vector.broadcast %reduce_sum3A_501 : i1 to vector<16xi1>
    %reduce_sum3A_503 = tpu.scan <sum>, %select_n3A_500 masked %reduce_sum3A_502 : vector<16xf32>, vector<16xi1> -> vector<16xf32>
    %reduce_sum3A_504 = vector.extract %reduce_sum3A_503[15] : f32 from vector<16xf32>
    %eq3A_505 = arith.constant 2 : i32
    %eq3A_506 = vector.broadcast %eq3A_505 : i32 to vector<16xi32>
    %eq3A_507 = arith.cmpi eq, %iota3A, %eq3A_506 : vector<16xi32>
    %jit3A_508 = arith.constant 0.000000e+00 : f32
    %broadcast_in_dim3A_509 = vector.broadcast %jit3A_508 : f32 to vector<16xf32>
    %select_n3A_510 = arith.select %eq3A_507, %get3A_9, %broadcast_in_dim3A_509 : vector<16xi1>, vector<16xf32>
    %reduce_sum3A_511 = arith.constant true
    %reduce_sum3A_512 = vector.broadcast %reduce_sum3A_511 : i1 to vector<16xi1>
    %reduce_sum3A_513 = tpu.scan <sum>, %select_n3A_510 masked %reduce_sum3A_512 : vector<16xf32>, vector<16xi1> -> vector<16xf32>
    %reduce_sum3A_514 = vector.extract %reduce_sum3A_513[15] : f32 from vector<16xf32>
    %eq3A_515 = arith.constant 3 : i32
    %eq3A_516 = vector.broadcast %eq3A_515 : i32 to vector<16xi32>
    %eq3A_517 = arith.cmpi eq, %iota3A, %eq3A_516 : vector<16xi32>
    %jit3A_518 = arith.constant 0.000000e+00 : f32
    %broadcast_in_dim3A_519 = vector.broadcast %jit3A_518 : f32 to vector<16xf32>
    %select_n3A_520 = arith.select %eq3A_517, %get3A_9, %broadcast_in_dim3A_519 : vector<16xi1>, vector<16xf32>
    %reduce_sum3A_521 = arith.constant true
    %reduce_sum3A_522 = vector.broadcast %reduce_sum3A_521 : i1 to vector<16xi1>
    %reduce_sum3A_523 = tpu.scan <sum>, %select_n3A_520 masked %reduce_sum3A_522 : vector<16xf32>, vector<16xi1> -> vector<16xf32>
    %reduce_sum3A_524 = vector.extract %reduce_sum3A_523[15] : f32 from vector<16xf32>
    %eq3A_525 = arith.constant 4 : i32
    %eq3A_526 = vector.broadcast %eq3A_525 : i32 to vector<16xi32>
    %eq3A_527 = arith.cmpi eq, %iota3A, %eq3A_526 : vector<16xi32>
    %jit3A_528 = arith.constant 0.000000e+00 : f32
    %broadcast_in_dim3A_529 = vector.broadcast %jit3A_528 : f32 to vector<16xf32>
    %select_n3A_530 = arith.select %eq3A_527, %get3A_9, %broadcast_in_dim3A_529 : vector<16xi1>, vector<16xf32>
    %reduce_sum3A_531 = arith.constant true
    %reduce_sum3A_532 = vector.broadcast %reduce_sum3A_531 : i1 to vector<16xi1>
    %reduce_sum3A_533 = tpu.scan <sum>, %select_n3A_530 masked %reduce_sum3A_532 : vector<16xf32>, vector<16xi1> -> vector<16xf32>
    %reduce_sum3A_534 = vector.extract %reduce_sum3A_533[15] : f32 from vector<16xf32>
    %eq3A_535 = arith.constant 5 : i32
    %eq3A_536 = vector.broadcast %eq3A_535 : i32 to vector<16xi32>
    %eq3A_537 = arith.cmpi eq, %iota3A, %eq3A_536 : vector<16xi32>
    %jit3A_538 = arith.constant 0.000000e+00 : f32
    %broadcast_in_dim3A_539 = vector.broadcast %jit3A_538 : f32 to vector<16xf32>
    %select_n3A_540 = arith.select %eq3A_537, %get3A_9, %broadcast_in_dim3A_539 : vector<16xi1>, vector<16xf32>
    %reduce_sum3A_541 = arith.constant true
    %reduce_sum3A_542 = vector.broadcast %reduce_sum3A_541 : i1 to vector<16xi1>
    %reduce_sum3A_543 = tpu.scan <sum>, %select_n3A_540 masked %reduce_sum3A_542 : vector<16xf32>, vector<16xi1> -> vector<16xf32>
    %reduce_sum3A_544 = vector.extract %reduce_sum3A_543[15] : f32 from vector<16xf32>
    %eq3A_545 = arith.constant 6 : i32
    %eq3A_546 = vector.broadcast %eq3A_545 : i32 to vector<16xi32>
    %eq3A_547 = arith.cmpi eq, %iota3A, %eq3A_546 : vector<16xi32>
    %jit3A_548 = arith.constant 0.000000e+00 : f32
    %broadcast_in_dim3A_549 = vector.broadcast %jit3A_548 : f32 to vector<16xf32>
    %select_n3A_550 = arith.select %eq3A_547, %get3A_9, %broadcast_in_dim3A_549 : vector<16xi1>, vector<16xf32>
    %reduce_sum3A_551 = arith.constant true
    %reduce_sum3A_552 = vector.broadcast %reduce_sum3A_551 : i1 to vector<16xi1>
    %reduce_sum3A_553 = tpu.scan <sum>, %select_n3A_550 masked %reduce_sum3A_552 : vector<16xf32>, vector<16xi1> -> vector<16xf32>
    %reduce_sum3A_554 = vector.extract %reduce_sum3A_553[15] : f32 from vector<16xf32>
    %eq3A_555 = arith.constant 7 : i32
    %eq3A_556 = vector.broadcast %eq3A_555 : i32 to vector<16xi32>
    %eq3A_557 = arith.cmpi eq, %iota3A, %eq3A_556 : vector<16xi32>
    %jit3A_558 = arith.constant 0.000000e+00 : f32
    %broadcast_in_dim3A_559 = vector.broadcast %jit3A_558 : f32 to vector<16xf32>
    %select_n3A_560 = arith.select %eq3A_557, %get3A_9, %broadcast_in_dim3A_559 : vector<16xi1>, vector<16xf32>
    %reduce_sum3A_561 = arith.constant true
    %reduce_sum3A_562 = vector.broadcast %reduce_sum3A_561 : i1 to vector<16xi1>
    %reduce_sum3A_563 = tpu.scan <sum>, %select_n3A_560 masked %reduce_sum3A_562 : vector<16xf32>, vector<16xi1> -> vector<16xf32>
    %reduce_sum3A_564 = vector.extract %reduce_sum3A_563[15] : f32 from vector<16xf32>
    %scan3A = arith.constant 0 : i32
    %scan3A_565 = arith.constant 0 : i32
    %scan3A_566 = arith.constant 16 : i32
    %scan3A_567 = arith.addi %scan3A_565, %scan3A_566 : i32
    %scan3A_568 = arith.constant 1 : i32
    scf.for %scan3A_570 = %scan3A_565 to %scan3A_567 step %scan3A_568  : i32 {
      %mul3A_571 = arith.constant 64 : i32
      %mul3A_572 = arith.muli %scan3A_570, %mul3A_571 : i32
      %add3A_573 = arith.constant 0 : i32
      %add3A_574 = arith.addi %mul3A_572, %add3A_573 : i32
      %get3A_575 = arith.constant 0 : i32
      %get3A_576 = arith.index_cast %get3A_575 : i32 to index
      %get3A_577 = arith.index_cast %add3A_574 : i32 to index
      %get3A_578 = tpu.vector_load %arg5[%get3A_576, %get3A_577] {strides = array<i32>} : memref<6x1024xf32, #tpu.memory_space<vmem>>, vector<16xf32>,
      %add3A_579 = arith.constant 0 : i32
      %add3A_580 = arith.addi %mul3A_572, %add3A_579 : i32
      %get3A_581 = arith.constant 1 : i32
      %get3A_582 = arith.index_cast %get3A_581 : i32 to index
      %get3A_583 = arith.index_cast %add3A_580 : i32 to index
      %get3A_584 = tpu.vector_load %arg5[%get3A_582, %get3A_583] {strides = array<i32>} : memref<6x1024xf32, #tpu.memory_space<vmem>>, vector<16xf32>,
      %add3A_585 = arith.constant 0 : i32
      %add3A_586 = arith.addi %mul3A_572, %add3A_585 : i32
      %get3A_587 = arith.constant 2 : i32
      %get3A_588 = arith.index_cast %get3A_587 : i32 to index
      %get3A_589 = arith.index_cast %add3A_586 : i32 to index
      %get3A_590 = tpu.vector_load %arg5[%get3A_588, %get3A_589] {strides = array<i32>} : memref<6x1024xf32, #tpu.memory_space<vmem>>, vector<16xf32>,
      %add3A_591 = arith.constant 0 : i32
      %add3A_592 = arith.addi %mul3A_572, %add3A_591 : i32
      %get3A_593 = arith.constant 3 : i32
      %get3A_594 = arith.index_cast %get3A_593 : i32 to index
      %get3A_595 = arith.index_cast %add3A_592 : i32 to index
      %get3A_596 = tpu.vector_load %arg5[%get3A_594, %get3A_595] {strides = array<i32>} : memref<6x1024xf32, #tpu.memory_space<vmem>>, vector<16xf32>,
      %add3A_597 = arith.constant 0 : i32
      %add3A_598 = arith.addi %mul3A_572, %add3A_597 : i32
      %get3A_599 = arith.constant 4 : i32
      %get3A_600 = arith.index_cast %get3A_599 : i32 to index
      %get3A_601 = arith.index_cast %add3A_598 : i32 to index
      %get3A_602 = tpu.vector_load %arg5[%get3A_600, %get3A_601] {strides = array<i32>} : memref<6x1024xf32, #tpu.memory_space<vmem>>, vector<16xf32>,
      %add3A_603 = arith.constant 0 : i32
      %add3A_604 = arith.addi %mul3A_572, %add3A_603 : i32
      %get3A_605 = arith.constant 5 : i32
      %get3A_606 = arith.index_cast %get3A_605 : i32 to index
      %get3A_607 = arith.index_cast %add3A_604 : i32 to index
      %get3A_608 = tpu.vector_load %arg5[%get3A_606, %get3A_607] {strides = array<i32>} : memref<6x1024xf32, #tpu.memory_space<vmem>>, vector<16xf32>,
      %add3A_609 = arith.constant 16 : i32
      %add3A_610 = arith.addi %mul3A_572, %add3A_609 : i32
      %get3A_611 = arith.constant 0 : i32
      %get3A_612 = arith.index_cast %get3A_611 : i32 to index
      %get3A_613 = arith.index_cast %add3A_610 : i32 to index
      %get3A_614 = tpu.vector_load %arg5[%get3A_612, %get3A_613] {strides = array<i32>} : memref<6x1024xf32, #tpu.memory_space<vmem>>, vector<16xf32>,
      %add3A_615 = arith.constant 16 : i32
      %add3A_616 = arith.addi %mul3A_572, %add3A_615 : i32
      %get3A_617 = arith.constant 1 : i32
      %get3A_618 = arith.index_cast %get3A_617 : i32 to index
      %get3A_619 = arith.index_cast %add3A_616 : i32 to index
      %get3A_620 = tpu.vector_load %arg5[%get3A_618, %get3A_619] {strides = array<i32>} : memref<6x1024xf32, #tpu.memory_space<vmem>>, vector<16xf32>,
      %add3A_621 = arith.constant 16 : i32
      %add3A_622 = arith.addi %mul3A_572, %add3A_621 : i32
      %get3A_623 = arith.constant 2 : i32
      %get3A_624 = arith.index_cast %get3A_623 : i32 to index
      %get3A_625 = arith.index_cast %add3A_622 : i32 to index
      %get3A_626 = tpu.vector_load %arg5[%get3A_624, %get3A_625] {strides = array<i32>} : memref<6x1024xf32, #tpu.memory_space<vmem>>, vector<16xf32>,
      %add3A_627 = arith.constant 16 : i32
      %add3A_628 = arith.addi %mul3A_572, %add3A_627 : i32
      %get3A_629 = arith.constant 3 : i32
      %get3A_630 = arith.index_cast %get3A_629 : i32 to index
      %get3A_631 = arith.index_cast %add3A_628 : i32 to index
      %get3A_632 = tpu.vector_load %arg5[%get3A_630, %get3A_631] {strides = array<i32>} : memref<6x1024xf32, #tpu.memory_space<vmem>>, vector<16xf32>,
      %add3A_633 = arith.constant 16 : i32
      %add3A_634 = arith.addi %mul3A_572, %add3A_633 : i32
      %get3A_635 = arith.constant 4 : i32
      %get3A_636 = arith.index_cast %get3A_635 : i32 to index
      %get3A_637 = arith.index_cast %add3A_634 : i32 to index
      %get3A_638 = tpu.vector_load %arg5[%get3A_636, %get3A_637] {strides = array<i32>} : memref<6x1024xf32, #tpu.memory_space<vmem>>, vector<16xf32>,
      %add3A_639 = arith.constant 16 : i32
      %add3A_640 = arith.addi %mul3A_572, %add3A_639 : i32
      %get3A_641 = arith.constant 5 : i32
      %get3A_642 = arith.index_cast %get3A_641 : i32 to index
      %get3A_643 = arith.index_cast %add3A_640 : i32 to index
      %get3A_644 = tpu.vector_load %arg5[%get3A_642, %get3A_643] {strides = array<i32>} : memref<6x1024xf32, #tpu.memory_space<vmem>>, vector<16xf32>,
      %add3A_645 = arith.constant 32 : i32
      %add3A_646 = arith.addi %mul3A_572, %add3A_645 : i32
      %get3A_647 = arith.constant 0 : i32
      %get3A_648 = arith.index_cast %get3A_647 : i32 to index
      %get3A_649 = arith.index_cast %add3A_646 : i32 to index
      %get3A_650 = tpu.vector_load %arg5[%get3A_648, %get3A_649] {strides = array<i32>} : memref<6x1024xf32, #tpu.memory_space<vmem>>, vector<16xf32>,
      %add3A_651 = arith.constant 32 : i32
      %add3A_652 = arith.addi %mul3A_572, %add3A_651 : i32
      %get3A_653 = arith.constant 1 : i32
      %get3A_654 = arith.index_cast %get3A_653 : i32 to index
      %get3A_655 = arith.index_cast %add3A_652 : i32 to index
      %get3A_656 = tpu.vector_load %arg5[%get3A_654, %get3A_655] {strides = array<i32>} : memref<6x1024xf32, #tpu.memory_space<vmem>>, vector<16xf32>,
      %add3A_657 = arith.constant 32 : i32
      %add3A_658 = arith.addi %mul3A_572, %add3A_657 : i32
      %get3A_659 = arith.constant 2 : i32
      %get3A_660 = arith.index_cast %get3A_659 : i32 to index
      %get3A_661 = arith.index_cast %add3A_658 : i32 to index
      %get3A_662 = tpu.vector_load %arg5[%get3A_660, %get3A_661] {strides = array<i32>} : memref<6x1024xf32, #tpu.memory_space<vmem>>, vector<16xf32>,
      %add3A_663 = arith.constant 32 : i32
      %add3A_664 = arith.addi %mul3A_572, %add3A_663 : i32
      %get3A_665 = arith.constant 3 : i32
      %get3A_666 = arith.index_cast %get3A_665 : i32 to index
      %get3A_667 = arith.index_cast %add3A_664 : i32 to index
      %get3A_668 = tpu.vector_load %arg5[%get3A_666, %get3A_667] {strides = array<i32>} : memref<6x1024xf32, #tpu.memory_space<vmem>>, vector<16xf32>,
      %add3A_669 = arith.constant 32 : i32
      %add3A_670 = arith.addi %mul3A_572, %add3A_669 : i32
      %get3A_671 = arith.constant 4 : i32
      %get3A_672 = arith.index_cast %get3A_671 : i32 to index
      %get3A_673 = arith.index_cast %add3A_670 : i32 to index
      %get3A_674 = tpu.vector_load %arg5[%get3A_672, %get3A_673] {strides = array<i32>} : memref<6x1024xf32, #tpu.memory_space<vmem>>, vector<16xf32>,
      %add3A_675 = arith.constant 32 : i32
      %add3A_676 = arith.addi %mul3A_572, %add3A_675 : i32
      %get3A_677 = arith.constant 5 : i32
      %get3A_678 = arith.index_cast %get3A_677 : i32 to index
      %get3A_679 = arith.index_cast %add3A_676 : i32 to index
      %get3A_680 = tpu.vector_load %arg5[%get3A_678, %get3A_679] {strides = array<i32>} : memref<6x1024xf32, #tpu.memory_space<vmem>>, vector<16xf32>,
      %add3A_681 = arith.constant 48 : i32
      %add3A_682 = arith.addi %mul3A_572, %add3A_681 : i32
      %get3A_683 = arith.constant 0 : i32
      %get3A_684 = arith.index_cast %get3A_683 : i32 to index
      %get3A_685 = arith.index_cast %add3A_682 : i32 to index
      %get3A_686 = tpu.vector_load %arg5[%get3A_684, %get3A_685] {strides = array<i32>} : memref<6x1024xf32, #tpu.memory_space<vmem>>, vector<16xf32>,
      %add3A_687 = arith.constant 48 : i32
      %add3A_688 = arith.addi %mul3A_572, %add3A_687 : i32
      %get3A_689 = arith.constant 1 : i32
      %get3A_690 = arith.index_cast %get3A_689 : i32 to index
      %get3A_691 = arith.index_cast %add3A_688 : i32 to index
      %get3A_692 = tpu.vector_load %arg5[%get3A_690, %get3A_691] {strides = array<i32>} : memref<6x1024xf32, #tpu.memory_space<vmem>>, vector<16xf32>,
      %add3A_693 = arith.constant 48 : i32
      %add3A_694 = arith.addi %mul3A_572, %add3A_693 : i32
      %get3A_695 = arith.constant 2 : i32
      %get3A_696 = arith.index_cast %get3A_695 : i32 to index
      %get3A_697 = arith.index_cast %add3A_694 : i32 to index
      %get3A_698 = tpu.vector_load %arg5[%get3A_696, %get3A_697] {strides = array<i32>} : memref<6x1024xf32, #tpu.memory_space<vmem>>, vector<16xf32>,
      %add3A_699 = arith.constant 48 : i32
      %add3A_700 = arith.addi %mul3A_572, %add3A_699 : i32
      %get3A_701 = arith.constant 3 : i32
      %get3A_702 = arith.index_cast %get3A_701 : i32 to index
      %get3A_703 = arith.index_cast %add3A_700 : i32 to index
      %get3A_704 = tpu.vector_load %arg5[%get3A_702, %get3A_703] {strides = array<i32>} : memref<6x1024xf32, #tpu.memory_space<vmem>>, vector<16xf32>,
      %add3A_705 = arith.constant 48 : i32
      %add3A_706 = arith.addi %mul3A_572, %add3A_705 : i32
      %get3A_707 = arith.constant 4 : i32
      %get3A_708 = arith.index_cast %get3A_707 : i32 to index
      %get3A_709 = arith.index_cast %add3A_706 : i32 to index
      %get3A_710 = tpu.vector_load %arg5[%get3A_708, %get3A_709] {strides = array<i32>} : memref<6x1024xf32, #tpu.memory_space<vmem>>, vector<16xf32>,
      %add3A_711 = arith.constant 48 : i32
      %add3A_712 = arith.addi %mul3A_572, %add3A_711 : i32
      %get3A_713 = arith.constant 5 : i32
      %get3A_714 = arith.index_cast %get3A_713 : i32 to index
      %get3A_715 = arith.index_cast %add3A_712 : i32 to index
      %get3A_716 = tpu.vector_load %arg5[%get3A_714, %get3A_715] {strides = array<i32>} : memref<6x1024xf32, #tpu.memory_space<vmem>>, vector<16xf32>,
      %mul3A_717 = vector.broadcast %reduce_sum3A_14 : f32 to vector<16xf32>
      %mul3A_718 = arith.mulf %get3A_578, %mul3A_717 : vector<16xf32>
      %add3A_719 = vector.broadcast %reduce_sum3A_494 : f32 to vector<16xf32>
      %add3A_720 = arith.addf %mul3A_718, %add3A_719 : vector<16xf32>
      %mul3A_721 = vector.broadcast %reduce_sum3A_24 : f32 to vector<16xf32>
      %mul3A_722 = arith.mulf %get3A_584, %mul3A_721 : vector<16xf32>
      %add3A_723 = arith.addf %add3A_720, %mul3A_722 : vector<16xf32>
      %mul3A_724 = vector.broadcast %reduce_sum3A_34 : f32 to vector<16xf32>
      %mul3A_725 = arith.mulf %get3A_590, %mul3A_724 : vector<16xf32>
      %add3A_726 = arith.addf %add3A_723, %mul3A_725 : vector<16xf32>
      %mul3A_727 = vector.broadcast %reduce_sum3A_44 : f32 to vector<16xf32>
      %mul3A_728 = arith.mulf %get3A_596, %mul3A_727 : vector<16xf32>
      %add3A_729 = arith.addf %add3A_726, %mul3A_728 : vector<16xf32>
      %mul3A_730 = vector.broadcast %reduce_sum3A_54 : f32 to vector<16xf32>
      %mul3A_731 = arith.mulf %get3A_602, %mul3A_730 : vector<16xf32>
      %add3A_732 = arith.addf %add3A_729, %mul3A_731 : vector<16xf32>
      %mul3A_733 = vector.broadcast %reduce_sum3A_64 : f32 to vector<16xf32>
      %mul3A_734 = arith.mulf %get3A_608, %mul3A_733 : vector<16xf32>
      %add3A_735 = arith.addf %add3A_732, %mul3A_734 : vector<16xf32>
      %add3A_736 = arith.constant 0 : i32
      %add3A_737 = arith.addi %mul3A_572, %add3A_736 : i32
      %swap3A = arith.constant 0 : i32
      %swap3A_738 = arith.index_cast %swap3A : i32 to index
      %swap3A_739 = arith.index_cast %add3A_737 : i32 to index
      %swap3A_740 = tpu.vector_load %arg6[%swap3A_738, %swap3A_739] {strides = array<i32>} : memref<8x1024xf32, #tpu.memory_space<vmem>>, vector<16xf32>,
      tpu.vector_store %arg6[%swap3A_738, %swap3A_739], %add3A_735 {strides = array<i32>} : memref<8x1024xf32, #tpu.memory_space<vmem>>, vector<16xf32>,
      %mul3A_741 = vector.broadcast %reduce_sum3A_14 : f32 to vector<16xf32>
      %mul3A_742 = arith.mulf %get3A_614, %mul3A_741 : vector<16xf32>
      %add3A_743 = vector.broadcast %reduce_sum3A_494 : f32 to vector<16xf32>
      %add3A_744 = arith.addf %mul3A_742, %add3A_743 : vector<16xf32>
      %mul3A_745 = vector.broadcast %reduce_sum3A_24 : f32 to vector<16xf32>
      %mul3A_746 = arith.mulf %get3A_620, %mul3A_745 : vector<16xf32>
      %add3A_747 = arith.addf %add3A_744, %mul3A_746 : vector<16xf32>
      %mul3A_748 = vector.broadcast %reduce_sum3A_34 : f32 to vector<16xf32>
      %mul3A_749 = arith.mulf %get3A_626, %mul3A_748 : vector<16xf32>
      %add3A_750 = arith.addf %add3A_747, %mul3A_749 : vector<16xf32>
      %mul3A_751 = vector.broadcast %reduce_sum3A_44 : f32 to vector<16xf32>
      %mul3A_752 = arith.mulf %get3A_632, %mul3A_751 : vector<16xf32>
      %add3A_753 = arith.addf %add3A_750, %mul3A_752 : vector<16xf32>
      %mul3A_754 = vector.broadcast %reduce_sum3A_54 : f32 to vector<16xf32>
      %mul3A_755 = arith.mulf %get3A_638, %mul3A_754 : vector<16xf32>
      %add3A_756 = arith.addf %add3A_753, %mul3A_755 : vector<16xf32>
      %mul3A_757 = vector.broadcast %reduce_sum3A_64 : f32 to vector<16xf32>
      %mul3A_758 = arith.mulf %get3A_644, %mul3A_757 : vector<16xf32>
      %add3A_759 = arith.addf %add3A_756, %mul3A_758 : vector<16xf32>
      %add3A_760 = arith.constant 16 : i32
      %add3A_761 = arith.addi %mul3A_572, %add3A_760 : i32
      %swap3A_762 = arith.constant 0 : i32
      %swap3A_763 = arith.index_cast %swap3A_762 : i32 to index
      %swap3A_764 = arith.index_cast %add3A_761 : i32 to index
      %swap3A_765 = tpu.vector_load %arg6[%swap3A_763, %swap3A_764] {strides = array<i32>} : memref<8x1024xf32, #tpu.memory_space<vmem>>, vector<16xf32>,
      tpu.vector_store %arg6[%swap3A_763, %swap3A_764], %add3A_759 {strides = array<i32>} : memref<8x1024xf32, #tpu.memory_space<vmem>>, vector<16xf32>,
      %mul3A_766 = vector.broadcast %reduce_sum3A_14 : f32 to vector<16xf32>
      %mul3A_767 = arith.mulf %get3A_650, %mul3A_766 : vector<16xf32>
      %add3A_768 = vector.broadcast %reduce_sum3A_494 : f32 to vector<16xf32>
      %add3A_769 = arith.addf %mul3A_767, %add3A_768 : vector<16xf32>
      %mul3A_770 = vector.broadcast %reduce_sum3A_24 : f32 to vector<16xf32>
      %mul3A_771 = arith.mulf %get3A_656, %mul3A_770 : vector<16xf32>
      %add3A_772 = arith.addf %add3A_769, %mul3A_771 : vector<16xf32>
      %mul3A_773 = vector.broadcast %reduce_sum3A_34 : f32 to vector<16xf32>
      %mul3A_774 = arith.mulf %get3A_662, %mul3A_773 : vector<16xf32>
      %add3A_775 = arith.addf %add3A_772, %mul3A_774 : vector<16xf32>
      %mul3A_776 = vector.broadcast %reduce_sum3A_44 : f32 to vector<16xf32>
      %mul3A_777 = arith.mulf %get3A_668, %mul3A_776 : vector<16xf32>
      %add3A_778 = arith.addf %add3A_775, %mul3A_777 : vector<16xf32>
      %mul3A_779 = vector.broadcast %reduce_sum3A_54 : f32 to vector<16xf32>
      %mul3A_780 = arith.mulf %get3A_674, %mul3A_779 : vector<16xf32>
      %add3A_781 = arith.addf %add3A_778, %mul3A_780 : vector<16xf32>
      %mul3A_782 = vector.broadcast %reduce_sum3A_64 : f32 to vector<16xf32>
      %mul3A_783 = arith.mulf %get3A_680, %mul3A_782 : vector<16xf32>
      %add3A_784 = arith.addf %add3A_781, %mul3A_783 : vector<16xf32>
      %add3A_785 = arith.constant 32 : i32
      %add3A_786 = arith.addi %mul3A_572, %add3A_785 : i32
      %swap3A_787 = arith.constant 0 : i32
      %swap3A_788 = arith.index_cast %swap3A_787 : i32 to index
      %swap3A_789 = arith.index_cast %add3A_786 : i32 to index
      %swap3A_790 = tpu.vector_load %arg6[%swap3A_788, %swap3A_789] {strides = array<i32>} : memref<8x1024xf32, #tpu.memory_space<vmem>>, vector<16xf32>,
      tpu.vector_store %arg6[%swap3A_788, %swap3A_789], %add3A_784 {strides = array<i32>} : memref<8x1024xf32, #tpu.memory_space<vmem>>, vector<16xf32>,
      %mul3A_791 = vector.broadcast %reduce_sum3A_14 : f32 to vector<16xf32>
      %mul3A_792 = arith.mulf %get3A_686, %mul3A_791 : vector<16xf32>
      %add3A_793 = vector.broadcast %reduce_sum3A_494 : f32 to vector<16xf32>
      %add3A_794 = arith.addf %mul3A_792, %add3A_793 : vector<16xf32>
      %mul3A_795 = vector.broadcast %reduce_sum3A_24 : f32 to vector<16xf32>
      %mul3A_796 = arith.mulf %get3A_692, %mul3A_795 : vector<16xf32>
      %add3A_797 = arith.addf %add3A_794, %mul3A_796 : vector<16xf32>
      %mul3A_798 = vector.broadcast %reduce_sum3A_34 : f32 to vector<16xf32>
      %mul3A_799 = arith.mulf %get3A_698, %mul3A_798 : vector<16xf32>
      %add3A_800 = arith.addf %add3A_797, %mul3A_799 : vector<16xf32>
      %mul3A_801 = vector.broadcast %reduce_sum3A_44 : f32 to vector<16xf32>
      %mul3A_802 = arith.mulf %get3A_704, %mul3A_801 : vector<16xf32>
      %add3A_803 = arith.addf %add3A_800, %mul3A_802 : vector<16xf32>
      %mul3A_804 = vector.broadcast %reduce_sum3A_54 : f32 to vector<16xf32>
      %mul3A_805 = arith.mulf %get3A_710, %mul3A_804 : vector<16xf32>
      %add3A_806 = arith.addf %add3A_803, %mul3A_805 : vector<16xf32>
      %mul3A_807 = vector.broadcast %reduce_sum3A_64 : f32 to vector<16xf32>
      %mul3A_808 = arith.mulf %get3A_716, %mul3A_807 : vector<16xf32>
      %add3A_809 = arith.addf %add3A_806, %mul3A_808 : vector<16xf32>
      %add3A_810 = arith.constant 48 : i32
      %add3A_811 = arith.addi %mul3A_572, %add3A_810 : i32
      %swap3A_812 = arith.constant 0 : i32
      %swap3A_813 = arith.index_cast %swap3A_812 : i32 to index
      %swap3A_814 = arith.index_cast %add3A_811 : i32 to index
      %swap3A_815 = tpu.vector_load %arg6[%swap3A_813, %swap3A_814] {strides = array<i32>} : memref<8x1024xf32, #tpu.memory_space<vmem>>, vector<16xf32>,
      tpu.vector_store %arg6[%swap3A_813, %swap3A_814], %add3A_809 {strides = array<i32>} : memref<8x1024xf32, #tpu.memory_space<vmem>>, vector<16xf32>,
      %mul3A_816 = vector.broadcast %reduce_sum3A_74 : f32 to vector<16xf32>
      %mul3A_817 = arith.mulf %get3A_578, %mul3A_816 : vector<16xf32>
      %add3A_818 = vector.broadcast %reduce_sum3A_504 : f32 to vector<16xf32>
      %add3A_819 = arith.addf %mul3A_817, %add3A_818 : vector<16xf32>
      %mul3A_820 = vector.broadcast %reduce_sum3A_84 : f32 to vector<16xf32>
      %mul3A_821 = arith.mulf %get3A_584, %mul3A_820 : vector<16xf32>
      %add3A_822 = arith.addf %add3A_819, %mul3A_821 : vector<16xf32>
      %mul3A_823 = vector.broadcast %reduce_sum3A_94 : f32 to vector<16xf32>
      %mul3A_824 = arith.mulf %get3A_590, %mul3A_823 : vector<16xf32>
      %add3A_825 = arith.addf %add3A_822, %mul3A_824 : vector<16xf32>
      %mul3A_826 = vector.broadcast %reduce_sum3A_104 : f32 to vector<16xf32>
      %mul3A_827 = arith.mulf %get3A_596, %mul3A_826 : vector<16xf32>
      %add3A_828 = arith.addf %add3A_825, %mul3A_827 : vector<16xf32>
      %mul3A_829 = vector.broadcast %reduce_sum3A_114 : f32 to vector<16xf32>
      %mul3A_830 = arith.mulf %get3A_602, %mul3A_829 : vector<16xf32>
      %add3A_831 = arith.addf %add3A_828, %mul3A_830 : vector<16xf32>
      %mul3A_832 = vector.broadcast %reduce_sum3A_124 : f32 to vector<16xf32>
      %mul3A_833 = arith.mulf %get3A_608, %mul3A_832 : vector<16xf32>
      %add3A_834 = arith.addf %add3A_831, %mul3A_833 : vector<16xf32>
      %add3A_835 = arith.constant 0 : i32
      %add3A_836 = arith.addi %mul3A_572, %add3A_835 : i32
      %swap3A_837 = arith.constant 1 : i32
      %swap3A_838 = arith.index_cast %swap3A_837 : i32 to index
      %swap3A_839 = arith.index_cast %add3A_836 : i32 to index
      %swap3A_840 = tpu.vector_load %arg6[%swap3A_838, %swap3A_839] {strides = array<i32>} : memref<8x1024xf32, #tpu.memory_space<vmem>>, vector<16xf32>,
      tpu.vector_store %arg6[%swap3A_838, %swap3A_839], %add3A_834 {strides = array<i32>} : memref<8x1024xf32, #tpu.memory_space<vmem>>, vector<16xf32>,
      %mul3A_841 = vector.broadcast %reduce_sum3A_74 : f32 to vector<16xf32>
      %mul3A_842 = arith.mulf %get3A_614, %mul3A_841 : vector<16xf32>
      %add3A_843 = vector.broadcast %reduce_sum3A_504 : f32 to vector<16xf32>
      %add3A_844 = arith.addf %mul3A_842, %add3A_843 : vector<16xf32>
      %mul3A_845 = vector.broadcast %reduce_sum3A_84 : f32 to vector<16xf32>
      %mul3A_846 = arith.mulf %get3A_620, %mul3A_845 : vector<16xf32>
      %add3A_847 = arith.addf %add3A_844, %mul3A_846 : vector<16xf32>
      %mul3A_848 = vector.broadcast %reduce_sum3A_94 : f32 to vector<16xf32>
      %mul3A_849 = arith.mulf %get3A_626, %mul3A_848 : vector<16xf32>
      %add3A_850 = arith.addf %add3A_847, %mul3A_849 : vector<16xf32>
      %mul3A_851 = vector.broadcast %reduce_sum3A_104 : f32 to vector<16xf32>
      %mul3A_852 = arith.mulf %get3A_632, %mul3A_851 : vector<16xf32>
      %add3A_853 = arith.addf %add3A_850, %mul3A_852 : vector<16xf32>
      %mul3A_854 = vector.broadcast %reduce_sum3A_114 : f32 to vector<16xf32>
      %mul3A_855 = arith.mulf %get3A_638, %mul3A_854 : vector<16xf32>
      %add3A_856 = arith.addf %add3A_853, %mul3A_855 : vector<16xf32>
      %mul3A_857 = vector.broadcast %reduce_sum3A_124 : f32 to vector<16xf32>
      %mul3A_858 = arith.mulf %get3A_644, %mul3A_857 : vector<16xf32>
      %add3A_859 = arith.addf %add3A_856, %mul3A_858 : vector<16xf32>
      %add3A_860 = arith.constant 16 : i32
      %add3A_861 = arith.addi %mul3A_572, %add3A_860 : i32
      %swap3A_862 = arith.constant 1 : i32
      %swap3A_863 = arith.index_cast %swap3A_862 : i32 to index
      %swap3A_864 = arith.index_cast %add3A_861 : i32 to index
      %swap3A_865 = tpu.vector_load %arg6[%swap3A_863, %swap3A_864] {strides = array<i32>} : memref<8x1024xf32, #tpu.memory_space<vmem>>, vector<16xf32>,
      tpu.vector_store %arg6[%swap3A_863, %swap3A_864], %add3A_859 {strides = array<i32>} : memref<8x1024xf32, #tpu.memory_space<vmem>>, vector<16xf32>,
      %mul3A_866 = vector.broadcast %reduce_sum3A_74 : f32 to vector<16xf32>
      %mul3A_867 = arith.mulf %get3A_650, %mul3A_866 : vector<16xf32>
      %add3A_868 = vector.broadcast %reduce_sum3A_504 : f32 to vector<16xf32>
      %add3A_869 = arith.addf %mul3A_867, %add3A_868 : vector<16xf32>
      %mul3A_870 = vector.broadcast %reduce_sum3A_84 : f32 to vector<16xf32>
      %mul3A_871 = arith.mulf %get3A_656, %mul3A_870 : vector<16xf32>
      %add3A_872 = arith.addf %add3A_869, %mul3A_871 : vector<16xf32>
      %mul3A_873 = vector.broadcast %reduce_sum3A_94 : f32 to vector<16xf32>
      %mul3A_874 = arith.mulf %get3A_662, %mul3A_873 : vector<16xf32>
      %add3A_875 = arith.addf %add3A_872, %mul3A_874 : vector<16xf32>
      %mul3A_876 = vector.broadcast %reduce_sum3A_104 : f32 to vector<16xf32>
      %mul3A_877 = arith.mulf %get3A_668, %mul3A_876 : vector<16xf32>
      %add3A_878 = arith.addf %add3A_875, %mul3A_877 : vector<16xf32>
      %mul3A_879 = vector.broadcast %reduce_sum3A_114 : f32 to vector<16xf32>
      %mul3A_880 = arith.mulf %get3A_674, %mul3A_879 : vector<16xf32>
      %add3A_881 = arith.addf %add3A_878, %mul3A_880 : vector<16xf32>
      %mul3A_882 = vector.broadcast %reduce_sum3A_124 : f32 to vector<16xf32>
      %mul3A_883 = arith.mulf %get3A_680, %mul3A_882 : vector<16xf32>
      %add3A_884 = arith.addf %add3A_881, %mul3A_883 : vector<16xf32>
      %add3A_885 = arith.constant 32 : i32
      %add3A_886 = arith.addi %mul3A_572, %add3A_885 : i32
      %swap3A_887 = arith.constant 1 : i32
      %swap3A_888 = arith.index_cast %swap3A_887 : i32 to index
      %swap3A_889 = arith.index_cast %add3A_886 : i32 to index
      %swap3A_890 = tpu.vector_load %arg6[%swap3A_888, %swap3A_889] {strides = array<i32>} : memref<8x1024xf32, #tpu.memory_space<vmem>>, vector<16xf32>,
      tpu.vector_store %arg6[%swap3A_888, %swap3A_889], %add3A_884 {strides = array<i32>} : memref<8x1024xf32, #tpu.memory_space<vmem>>, vector<16xf32>,
      %mul3A_891 = vector.broadcast %reduce_sum3A_74 : f32 to vector<16xf32>
      %mul3A_892 = arith.mulf %get3A_686, %mul3A_891 : vector<16xf32>
      %add3A_893 = vector.broadcast %reduce_sum3A_504 : f32 to vector<16xf32>
      %add3A_894 = arith.addf %mul3A_892, %add3A_893 : vector<16xf32>
      %mul3A_895 = vector.broadcast %reduce_sum3A_84 : f32 to vector<16xf32>
      %mul3A_896 = arith.mulf %get3A_692, %mul3A_895 : vector<16xf32>
      %add3A_897 = arith.addf %add3A_894, %mul3A_896 : vector<16xf32>
      %mul3A_898 = vector.broadcast %reduce_sum3A_94 : f32 to vector<16xf32>
      %mul3A_899 = arith.mulf %get3A_698, %mul3A_898 : vector<16xf32>
      %add3A_900 = arith.addf %add3A_897, %mul3A_899 : vector<16xf32>
      %mul3A_901 = vector.broadcast %reduce_sum3A_104 : f32 to vector<16xf32>
      %mul3A_902 = arith.mulf %get3A_704, %mul3A_901 : vector<16xf32>
      %add3A_903 = arith.addf %add3A_900, %mul3A_902 : vector<16xf32>
      %mul3A_904 = vector.broadcast %reduce_sum3A_114 : f32 to vector<16xf32>
      %mul3A_905 = arith.mulf %get3A_710, %mul3A_904 : vector<16xf32>
      %add3A_906 = arith.addf %add3A_903, %mul3A_905 : vector<16xf32>
      %mul3A_907 = vector.broadcast %reduce_sum3A_124 : f32 to vector<16xf32>
      %mul3A_908 = arith.mulf %get3A_716, %mul3A_907 : vector<16xf32>
      %add3A_909 = arith.addf %add3A_906, %mul3A_908 : vector<16xf32>
      %add3A_910 = arith.constant 48 : i32
      %add3A_911 = arith.addi %mul3A_572, %add3A_910 : i32
      %swap3A_912 = arith.constant 1 : i32
      %swap3A_913 = arith.index_cast %swap3A_912 : i32 to index
      %swap3A_914 = arith.index_cast %add3A_911 : i32 to index
      %swap3A_915 = tpu.vector_load %arg6[%swap3A_913, %swap3A_914] {strides = array<i32>} : memref<8x1024xf32, #tpu.memory_space<vmem>>, vector<16xf32>,
      tpu.vector_store %arg6[%swap3A_913, %swap3A_914], %add3A_909 {strides = array<i32>} : memref<8x1024xf32, #tpu.memory_space<vmem>>, vector<16xf32>,
      %mul3A_916 = vector.broadcast %reduce_sum3A_134 : f32 to vector<16xf32>
      %mul3A_917 = arith.mulf %get3A_578, %mul3A_916 : vector<16xf32>
      %add3A_918 = vector.broadcast %reduce_sum3A_514 : f32 to vector<16xf32>
      %add3A_919 = arith.addf %mul3A_917, %add3A_918 : vector<16xf32>
      %mul3A_920 = vector.broadcast %reduce_sum3A_144 : f32 to vector<16xf32>
      %mul3A_921 = arith.mulf %get3A_584, %mul3A_920 : vector<16xf32>
      %add3A_922 = arith.addf %add3A_919, %mul3A_921 : vector<16xf32>
      %mul3A_923 = vector.broadcast %reduce_sum3A_154 : f32 to vector<16xf32>
      %mul3A_924 = arith.mulf %get3A_590, %mul3A_923 : vector<16xf32>
      %add3A_925 = arith.addf %add3A_922, %mul3A_924 : vector<16xf32>
      %mul3A_926 = vector.broadcast %reduce_sum3A_164 : f32 to vector<16xf32>
      %mul3A_927 = arith.mulf %get3A_596, %mul3A_926 : vector<16xf32>
      %add3A_928 = arith.addf %add3A_925, %mul3A_927 : vector<16xf32>
      %mul3A_929 = vector.broadcast %reduce_sum3A_174 : f32 to vector<16xf32>
      %mul3A_930 = arith.mulf %get3A_602, %mul3A_929 : vector<16xf32>
      %add3A_931 = arith.addf %add3A_928, %mul3A_930 : vector<16xf32>
      %mul3A_932 = vector.broadcast %reduce_sum3A_184 : f32 to vector<16xf32>
      %mul3A_933 = arith.mulf %get3A_608, %mul3A_932 : vector<16xf32>
      %add3A_934 = arith.addf %add3A_931, %mul3A_933 : vector<16xf32>
      %add3A_935 = arith.constant 0 : i32
      %add3A_936 = arith.addi %mul3A_572, %add3A_935 : i32
      %swap3A_937 = arith.constant 2 : i32
      %swap3A_938 = arith.index_cast %swap3A_937 : i32 to index
      %swap3A_939 = arith.index_cast %add3A_936 : i32 to index
      %swap3A_940 = tpu.vector_load %arg6[%swap3A_938, %swap3A_939] {strides = array<i32>} : memref<8x1024xf32, #tpu.memory_space<vmem>>, vector<16xf32>,
      tpu.vector_store %arg6[%swap3A_938, %swap3A_939], %add3A_934 {strides = array<i32>} : memref<8x1024xf32, #tpu.memory_space<vmem>>, vector<16xf32>,
      %mul3A_941 = vector.broadcast %reduce_sum3A_134 : f32 to vector<16xf32>
      %mul3A_942 = arith.mulf %get3A_614, %mul3A_941 : vector<16xf32>
      %add3A_943 = vector.broadcast %reduce_sum3A_514 : f32 to vector<16xf32>
      %add3A_944 = arith.addf %mul3A_942, %add3A_943 : vector<16xf32>
      %mul3A_945 = vector.broadcast %reduce_sum3A_144 : f32 to vector<16xf32>
      %mul3A_946 = arith.mulf %get3A_620, %mul3A_945 : vector<16xf32>
      %add3A_947 = arith.addf %add3A_944, %mul3A_946 : vector<16xf32>
      %mul3A_948 = vector.broadcast %reduce_sum3A_154 : f32 to vector<16xf32>
      %mul3A_949 = arith.mulf %get3A_626, %mul3A_948 : vector<16xf32>
      %add3A_950 = arith.addf %add3A_947, %mul3A_949 : vector<16xf32>
      %mul3A_951 = vector.broadcast %reduce_sum3A_164 : f32 to vector<16xf32>
      %mul3A_952 = arith.mulf %get3A_632, %mul3A_951 : vector<16xf32>
      %add3A_953 = arith.addf %add3A_950, %mul3A_952 : vector<16xf32>
      %mul3A_954 = vector.broadcast %reduce_sum3A_174 : f32 to vector<16xf32>
      %mul3A_955 = arith.mulf %get3A_638, %mul3A_954 : vector<16xf32>
      %add3A_956 = arith.addf %add3A_953, %mul3A_955 : vector<16xf32>
      %mul3A_957 = vector.broadcast %reduce_sum3A_184 : f32 to vector<16xf32>
      %mul3A_958 = arith.mulf %get3A_644, %mul3A_957 : vector<16xf32>
      %add3A_959 = arith.addf %add3A_956, %mul3A_958 : vector<16xf32>
      %add3A_960 = arith.constant 16 : i32
      %add3A_961 = arith.addi %mul3A_572, %add3A_960 : i32
      %swap3A_962 = arith.constant 2 : i32
      %swap3A_963 = arith.index_cast %swap3A_962 : i32 to index
      %swap3A_964 = arith.index_cast %add3A_961 : i32 to index
      %swap3A_965 = tpu.vector_load %arg6[%swap3A_963, %swap3A_964] {strides = array<i32>} : memref<8x1024xf32, #tpu.memory_space<vmem>>, vector<16xf32>,
      tpu.vector_store %arg6[%swap3A_963, %swap3A_964], %add3A_959 {strides = array<i32>} : memref<8x1024xf32, #tpu.memory_space<vmem>>, vector<16xf32>,
      %mul3A_966 = vector.broadcast %reduce_sum3A_134 : f32 to vector<16xf32>
      %mul3A_967 = arith.mulf %get3A_650, %mul3A_966 : vector<16xf32>
      %add3A_968 = vector.broadcast %reduce_sum3A_514 : f32 to vector<16xf32>
      %add3A_969 = arith.addf %mul3A_967, %add3A_968 : vector<16xf32>
      %mul3A_970 = vector.broadcast %reduce_sum3A_144 : f32 to vector<16xf32>
      %mul3A_971 = arith.mulf %get3A_656, %mul3A_970 : vector<16xf32>
      %add3A_972 = arith.addf %add3A_969, %mul3A_971 : vector<16xf32>
      %mul3A_973 = vector.broadcast %reduce_sum3A_154 : f32 to vector<16xf32>
      %mul3A_974 = arith.mulf %get3A_662, %mul3A_973 : vector<16xf32>
      %add3A_975 = arith.addf %add3A_972, %mul3A_974 : vector<16xf32>
      %mul3A_976 = vector.broadcast %reduce_sum3A_164 : f32 to vector<16xf32>
      %mul3A_977 = arith.mulf %get3A_668, %mul3A_976 : vector<16xf32>
      %add3A_978 = arith.addf %add3A_975, %mul3A_977 : vector<16xf32>
      %mul3A_979 = vector.broadcast %reduce_sum3A_174 : f32 to vector<16xf32>
      %mul3A_980 = arith.mulf %get3A_674, %mul3A_979 : vector<16xf32>
      %add3A_981 = arith.addf %add3A_978, %mul3A_980 : vector<16xf32>
      %mul3A_982 = vector.broadcast %reduce_sum3A_184 : f32 to vector<16xf32>
      %mul3A_983 = arith.mulf %get3A_680, %mul3A_982 : vector<16xf32>
      %add3A_984 = arith.addf %add3A_981, %mul3A_983 : vector<16xf32>
      %add3A_985 = arith.constant 32 : i32
      %add3A_986 = arith.addi %mul3A_572, %add3A_985 : i32
      %swap3A_987 = arith.constant 2 : i32
      %swap3A_988 = arith.index_cast %swap3A_987 : i32 to index
      %swap3A_989 = arith.index_cast %add3A_986 : i32 to index
      %swap3A_990 = tpu.vector_load %arg6[%swap3A_988, %swap3A_989] {strides = array<i32>} : memref<8x1024xf32, #tpu.memory_space<vmem>>, vector<16xf32>,
      tpu.vector_store %arg6[%swap3A_988, %swap3A_989], %add3A_984 {strides = array<i32>} : memref<8x1024xf32, #tpu.memory_space<vmem>>, vector<16xf32>,
      %mul3A_991 = vector.broadcast %reduce_sum3A_134 : f32 to vector<16xf32>
      %mul3A_992 = arith.mulf %get3A_686, %mul3A_991 : vector<16xf32>
      %add3A_993 = vector.broadcast %reduce_sum3A_514 : f32 to vector<16xf32>
      %add3A_994 = arith.addf %mul3A_992, %add3A_993 : vector<16xf32>
      %mul3A_995 = vector.broadcast %reduce_sum3A_144 : f32 to vector<16xf32>
      %mul3A_996 = arith.mulf %get3A_692, %mul3A_995 : vector<16xf32>
      %add3A_997 = arith.addf %add3A_994, %mul3A_996 : vector<16xf32>
      %mul3A_998 = vector.broadcast %reduce_sum3A_154 : f32 to vector<16xf32>
      %mul3A_999 = arith.mulf %get3A_698, %mul3A_998 : vector<16xf32>
      %add3A_1000 = arith.addf %add3A_997, %mul3A_999 : vector<16xf32>
      %mul3A_1001 = vector.broadcast %reduce_sum3A_164 : f32 to vector<16xf32>
      %mul3A_1002 = arith.mulf %get3A_704, %mul3A_1001 : vector<16xf32>
      %add3A_1003 = arith.addf %add3A_1000, %mul3A_1002 : vector<16xf32>
      %mul3A_1004 = vector.broadcast %reduce_sum3A_174 : f32 to vector<16xf32>
      %mul3A_1005 = arith.mulf %get3A_710, %mul3A_1004 : vector<16xf32>
      %add3A_1006 = arith.addf %add3A_1003, %mul3A_1005 : vector<16xf32>
      %mul3A_1007 = vector.broadcast %reduce_sum3A_184 : f32 to vector<16xf32>
      %mul3A_1008 = arith.mulf %get3A_716, %mul3A_1007 : vector<16xf32>
      %add3A_1009 = arith.addf %add3A_1006, %mul3A_1008 : vector<16xf32>
      %add3A_1010 = arith.constant 48 : i32
      %add3A_1011 = arith.addi %mul3A_572, %add3A_1010 : i32
      %swap3A_1012 = arith.constant 2 : i32
      %swap3A_1013 = arith.index_cast %swap3A_1012 : i32 to index
      %swap3A_1014 = arith.index_cast %add3A_1011 : i32 to index
      %swap3A_1015 = tpu.vector_load %arg6[%swap3A_1013, %swap3A_1014] {strides = array<i32>} : memref<8x1024xf32, #tpu.memory_space<vmem>>, vector<16xf32>,
      tpu.vector_store %arg6[%swap3A_1013, %swap3A_1014], %add3A_1009 {strides = array<i32>} : memref<8x1024xf32, #tpu.memory_space<vmem>>, vector<16xf32>,
      %mul3A_1016 = vector.broadcast %reduce_sum3A_194 : f32 to vector<16xf32>
      %mul3A_1017 = arith.mulf %get3A_578, %mul3A_1016 : vector<16xf32>
      %add3A_1018 = vector.broadcast %reduce_sum3A_524 : f32 to vector<16xf32>
      %add3A_1019 = arith.addf %mul3A_1017, %add3A_1018 : vector<16xf32>
      %mul3A_1020 = vector.broadcast %reduce_sum3A_204 : f32 to vector<16xf32>
      %mul3A_1021 = arith.mulf %get3A_584, %mul3A_1020 : vector<16xf32>
      %add3A_1022 = arith.addf %add3A_1019, %mul3A_1021 : vector<16xf32>
      %mul3A_1023 = vector.broadcast %reduce_sum3A_214 : f32 to vector<16xf32>
      %mul3A_1024 = arith.mulf %get3A_590, %mul3A_1023 : vector<16xf32>
      %add3A_1025 = arith.addf %add3A_1022, %mul3A_1024 : vector<16xf32>
      %mul3A_1026 = vector.broadcast %reduce_sum3A_224 : f32 to vector<16xf32>
      %mul3A_1027 = arith.mulf %get3A_596, %mul3A_1026 : vector<16xf32>
      %add3A_1028 = arith.addf %add3A_1025, %mul3A_1027 : vector<16xf32>
      %mul3A_1029 = vector.broadcast %reduce_sum3A_234 : f32 to vector<16xf32>
      %mul3A_1030 = arith.mulf %get3A_602, %mul3A_1029 : vector<16xf32>
      %add3A_1031 = arith.addf %add3A_1028, %mul3A_1030 : vector<16xf32>
      %mul3A_1032 = vector.broadcast %reduce_sum3A_244 : f32 to vector<16xf32>
      %mul3A_1033 = arith.mulf %get3A_608, %mul3A_1032 : vector<16xf32>
      %add3A_1034 = arith.addf %add3A_1031, %mul3A_1033 : vector<16xf32>
      %add3A_1035 = arith.constant 0 : i32
      %add3A_1036 = arith.addi %mul3A_572, %add3A_1035 : i32
      %swap3A_1037 = arith.constant 3 : i32
      %swap3A_1038 = arith.index_cast %swap3A_1037 : i32 to index
      %swap3A_1039 = arith.index_cast %add3A_1036 : i32 to index
      %swap3A_1040 = tpu.vector_load %arg6[%swap3A_1038, %swap3A_1039] {strides = array<i32>} : memref<8x1024xf32, #tpu.memory_space<vmem>>, vector<16xf32>,
      tpu.vector_store %arg6[%swap3A_1038, %swap3A_1039], %add3A_1034 {strides = array<i32>} : memref<8x1024xf32, #tpu.memory_space<vmem>>, vector<16xf32>,
      %mul3A_1041 = vector.broadcast %reduce_sum3A_194 : f32 to vector<16xf32>
      %mul3A_1042 = arith.mulf %get3A_614, %mul3A_1041 : vector<16xf32>
      %add3A_1043 = vector.broadcast %reduce_sum3A_524 : f32 to vector<16xf32>
      %add3A_1044 = arith.addf %mul3A_1042, %add3A_1043 : vector<16xf32>
      %mul3A_1045 = vector.broadcast %reduce_sum3A_204 : f32 to vector<16xf32>
      %mul3A_1046 = arith.mulf %get3A_620, %mul3A_1045 : vector<16xf32>
      %add3A_1047 = arith.addf %add3A_1044, %mul3A_1046 : vector<16xf32>
      %mul3A_1048 = vector.broadcast %reduce_sum3A_214 : f32 to vector<16xf32>
      %mul3A_1049 = arith.mulf %get3A_626, %mul3A_1048 : vector<16xf32>
      %add3A_1050 = arith.addf %add3A_1047, %mul3A_1049 : vector<16xf32>
      %mul3A_1051 = vector.broadcast %reduce_sum3A_224 : f32 to vector<16xf32>
      %mul3A_1052 = arith.mulf %get3A_632, %mul3A_1051 : vector<16xf32>
      %add3A_1053 = arith.addf %add3A_1050, %mul3A_1052 : vector<16xf32>
      %mul3A_1054 = vector.broadcast %reduce_sum3A_234 : f32 to vector<16xf32>
      %mul3A_1055 = arith.mulf %get3A_638, %mul3A_1054 : vector<16xf32>
      %add3A_1056 = arith.addf %add3A_1053, %mul3A_1055 : vector<16xf32>
      %mul3A_1057 = vector.broadcast %reduce_sum3A_244 : f32 to vector<16xf32>
      %mul3A_1058 = arith.mulf %get3A_644, %mul3A_1057 : vector<16xf32>
      %add3A_1059 = arith.addf %add3A_1056, %mul3A_1058 : vector<16xf32>
      %add3A_1060 = arith.constant 16 : i32
      %add3A_1061 = arith.addi %mul3A_572, %add3A_1060 : i32
      %swap3A_1062 = arith.constant 3 : i32
      %swap3A_1063 = arith.index_cast %swap3A_1062 : i32 to index
      %swap3A_1064 = arith.index_cast %add3A_1061 : i32 to index
      %swap3A_1065 = tpu.vector_load %arg6[%swap3A_1063, %swap3A_1064] {strides = array<i32>} : memref<8x1024xf32, #tpu.memory_space<vmem>>, vector<16xf32>,
      tpu.vector_store %arg6[%swap3A_1063, %swap3A_1064], %add3A_1059 {strides = array<i32>} : memref<8x1024xf32, #tpu.memory_space<vmem>>, vector<16xf32>,
      %mul3A_1066 = vector.broadcast %reduce_sum3A_194 : f32 to vector<16xf32>
      %mul3A_1067 = arith.mulf %get3A_650, %mul3A_1066 : vector<16xf32>
      %add3A_1068 = vector.broadcast %reduce_sum3A_524 : f32 to vector<16xf32>
      %add3A_1069 = arith.addf %mul3A_1067, %add3A_1068 : vector<16xf32>
      %mul3A_1070 = vector.broadcast %reduce_sum3A_204 : f32 to vector<16xf32>
      %mul3A_1071 = arith.mulf %get3A_656, %mul3A_1070 : vector<16xf32>
      %add3A_1072 = arith.addf %add3A_1069, %mul3A_1071 : vector<16xf32>
      %mul3A_1073 = vector.broadcast %reduce_sum3A_214 : f32 to vector<16xf32>
      %mul3A_1074 = arith.mulf %get3A_662, %mul3A_1073 : vector<16xf32>
      %add3A_1075 = arith.addf %add3A_1072, %mul3A_1074 : vector<16xf32>
      %mul3A_1076 = vector.broadcast %reduce_sum3A_224 : f32 to vector<16xf32>
      %mul3A_1077 = arith.mulf %get3A_668, %mul3A_1076 : vector<16xf32>
      %add3A_1078 = arith.addf %add3A_1075, %mul3A_1077 : vector<16xf32>
      %mul3A_1079 = vector.broadcast %reduce_sum3A_234 : f32 to vector<16xf32>
      %mul3A_1080 = arith.mulf %get3A_674, %mul3A_1079 : vector<16xf32>
      %add3A_1081 = arith.addf %add3A_1078, %mul3A_1080 : vector<16xf32>
      %mul3A_1082 = vector.broadcast %reduce_sum3A_244 : f32 to vector<16xf32>
      %mul3A_1083 = arith.mulf %get3A_680, %mul3A_1082 : vector<16xf32>
      %add3A_1084 = arith.addf %add3A_1081, %mul3A_1083 : vector<16xf32>
      %add3A_1085 = arith.constant 32 : i32
      %add3A_1086 = arith.addi %mul3A_572, %add3A_1085 : i32
      %swap3A_1087 = arith.constant 3 : i32
      %swap3A_1088 = arith.index_cast %swap3A_1087 : i32 to index
      %swap3A_1089 = arith.index_cast %add3A_1086 : i32 to index
      %swap3A_1090 = tpu.vector_load %arg6[%swap3A_1088, %swap3A_1089] {strides = array<i32>} : memref<8x1024xf32, #tpu.memory_space<vmem>>, vector<16xf32>,
      tpu.vector_store %arg6[%swap3A_1088, %swap3A_1089], %add3A_1084 {strides = array<i32>} : memref<8x1024xf32, #tpu.memory_space<vmem>>, vector<16xf32>,
      %mul3A_1091 = vector.broadcast %reduce_sum3A_194 : f32 to vector<16xf32>
      %mul3A_1092 = arith.mulf %get3A_686, %mul3A_1091 : vector<16xf32>
      %add3A_1093 = vector.broadcast %reduce_sum3A_524 : f32 to vector<16xf32>
      %add3A_1094 = arith.addf %mul3A_1092, %add3A_1093 : vector<16xf32>
      %mul3A_1095 = vector.broadcast %reduce_sum3A_204 : f32 to vector<16xf32>
      %mul3A_1096 = arith.mulf %get3A_692, %mul3A_1095 : vector<16xf32>
      %add3A_1097 = arith.addf %add3A_1094, %mul3A_1096 : vector<16xf32>
      %mul3A_1098 = vector.broadcast %reduce_sum3A_214 : f32 to vector<16xf32>
      %mul3A_1099 = arith.mulf %get3A_698, %mul3A_1098 : vector<16xf32>
      %add3A_1100 = arith.addf %add3A_1097, %mul3A_1099 : vector<16xf32>
      %mul3A_1101 = vector.broadcast %reduce_sum3A_224 : f32 to vector<16xf32>
      %mul3A_1102 = arith.mulf %get3A_704, %mul3A_1101 : vector<16xf32>
      %add3A_1103 = arith.addf %add3A_1100, %mul3A_1102 : vector<16xf32>
      %mul3A_1104 = vector.broadcast %reduce_sum3A_234 : f32 to vector<16xf32>
      %mul3A_1105 = arith.mulf %get3A_710, %mul3A_1104 : vector<16xf32>
      %add3A_1106 = arith.addf %add3A_1103, %mul3A_1105 : vector<16xf32>
      %mul3A_1107 = vector.broadcast %reduce_sum3A_244 : f32 to vector<16xf32>
      %mul3A_1108 = arith.mulf %get3A_716, %mul3A_1107 : vector<16xf32>
      %add3A_1109 = arith.addf %add3A_1106, %mul3A_1108 : vector<16xf32>
      %add3A_1110 = arith.constant 48 : i32
      %add3A_1111 = arith.addi %mul3A_572, %add3A_1110 : i32
      %swap3A_1112 = arith.constant 3 : i32
      %swap3A_1113 = arith.index_cast %swap3A_1112 : i32 to index
      %swap3A_1114 = arith.index_cast %add3A_1111 : i32 to index
      %swap3A_1115 = tpu.vector_load %arg6[%swap3A_1113, %swap3A_1114] {strides = array<i32>} : memref<8x1024xf32, #tpu.memory_space<vmem>>, vector<16xf32>,
      tpu.vector_store %arg6[%swap3A_1113, %swap3A_1114], %add3A_1109 {strides = array<i32>} : memref<8x1024xf32, #tpu.memory_space<vmem>>, vector<16xf32>,
      %mul3A_1116 = vector.broadcast %reduce_sum3A_254 : f32 to vector<16xf32>
      %mul3A_1117 = arith.mulf %get3A_578, %mul3A_1116 : vector<16xf32>
      %add3A_1118 = vector.broadcast %reduce_sum3A_534 : f32 to vector<16xf32>
      %add3A_1119 = arith.addf %mul3A_1117, %add3A_1118 : vector<16xf32>
      %mul3A_1120 = vector.broadcast %reduce_sum3A_264 : f32 to vector<16xf32>
      %mul3A_1121 = arith.mulf %get3A_584, %mul3A_1120 : vector<16xf32>
      %add3A_1122 = arith.addf %add3A_1119, %mul3A_1121 : vector<16xf32>
      %mul3A_1123 = vector.broadcast %reduce_sum3A_274 : f32 to vector<16xf32>
      %mul3A_1124 = arith.mulf %get3A_590, %mul3A_1123 : vector<16xf32>
      %add3A_1125 = arith.addf %add3A_1122, %mul3A_1124 : vector<16xf32>
      %mul3A_1126 = vector.broadcast %reduce_sum3A_284 : f32 to vector<16xf32>
      %mul3A_1127 = arith.mulf %get3A_596, %mul3A_1126 : vector<16xf32>
      %add3A_1128 = arith.addf %add3A_1125, %mul3A_1127 : vector<16xf32>
      %mul3A_1129 = vector.broadcast %reduce_sum3A_294 : f32 to vector<16xf32>
      %mul3A_1130 = arith.mulf %get3A_602, %mul3A_1129 : vector<16xf32>
      %add3A_1131 = arith.addf %add3A_1128, %mul3A_1130 : vector<16xf32>
      %mul3A_1132 = vector.broadcast %reduce_sum3A_304 : f32 to vector<16xf32>
      %mul3A_1133 = arith.mulf %get3A_608, %mul3A_1132 : vector<16xf32>
      %add3A_1134 = arith.addf %add3A_1131, %mul3A_1133 : vector<16xf32>
      %add3A_1135 = arith.constant 0 : i32
      %add3A_1136 = arith.addi %mul3A_572, %add3A_1135 : i32
      %swap3A_1137 = arith.constant 4 : i32
      %swap3A_1138 = arith.index_cast %swap3A_1137 : i32 to index
      %swap3A_1139 = arith.index_cast %add3A_1136 : i32 to index
      %swap3A_1140 = tpu.vector_load %arg6[%swap3A_1138, %swap3A_1139] {strides = array<i32>} : memref<8x1024xf32, #tpu.memory_space<vmem>>, vector<16xf32>,
      tpu.vector_store %arg6[%swap3A_1138, %swap3A_1139], %add3A_1134 {strides = array<i32>} : memref<8x1024xf32, #tpu.memory_space<vmem>>, vector<16xf32>,
      %mul3A_1141 = vector.broadcast %reduce_sum3A_254 : f32 to vector<16xf32>
      %mul3A_1142 = arith.mulf %get3A_614, %mul3A_1141 : vector<16xf32>
      %add3A_1143 = vector.broadcast %reduce_sum3A_534 : f32 to vector<16xf32>
      %add3A_1144 = arith.addf %mul3A_1142, %add3A_1143 : vector<16xf32>
      %mul3A_1145 = vector.broadcast %reduce_sum3A_264 : f32 to vector<16xf32>
      %mul3A_1146 = arith.mulf %get3A_620, %mul3A_1145 : vector<16xf32>
      %add3A_1147 = arith.addf %add3A_1144, %mul3A_1146 : vector<16xf32>
      %mul3A_1148 = vector.broadcast %reduce_sum3A_274 : f32 to vector<16xf32>
      %mul3A_1149 = arith.mulf %get3A_626, %mul3A_1148 : vector<16xf32>
      %add3A_1150 = arith.addf %add3A_1147, %mul3A_1149 : vector<16xf32>
      %mul3A_1151 = vector.broadcast %reduce_sum3A_284 : f32 to vector<16xf32>
      %mul3A_1152 = arith.mulf %get3A_632, %mul3A_1151 : vector<16xf32>
      %add3A_1153 = arith.addf %add3A_1150, %mul3A_1152 : vector<16xf32>
      %mul3A_1154 = vector.broadcast %reduce_sum3A_294 : f32 to vector<16xf32>
      %mul3A_1155 = arith.mulf %get3A_638, %mul3A_1154 : vector<16xf32>
      %add3A_1156 = arith.addf %add3A_1153, %mul3A_1155 : vector<16xf32>
      %mul3A_1157 = vector.broadcast %reduce_sum3A_304 : f32 to vector<16xf32>
      %mul3A_1158 = arith.mulf %get3A_644, %mul3A_1157 : vector<16xf32>
      %add3A_1159 = arith.addf %add3A_1156, %mul3A_1158 : vector<16xf32>
      %add3A_1160 = arith.constant 16 : i32
      %add3A_1161 = arith.addi %mul3A_572, %add3A_1160 : i32
      %swap3A_1162 = arith.constant 4 : i32
      %swap3A_1163 = arith.index_cast %swap3A_1162 : i32 to index
      %swap3A_1164 = arith.index_cast %add3A_1161 : i32 to index
      %swap3A_1165 = tpu.vector_load %arg6[%swap3A_1163, %swap3A_1164] {strides = array<i32>} : memref<8x1024xf32, #tpu.memory_space<vmem>>, vector<16xf32>,
      tpu.vector_store %arg6[%swap3A_1163, %swap3A_1164], %add3A_1159 {strides = array<i32>} : memref<8x1024xf32, #tpu.memory_space<vmem>>, vector<16xf32>,
      %mul3A_1166 = vector.broadcast %reduce_sum3A_254 : f32 to vector<16xf32>
      %mul3A_1167 = arith.mulf %get3A_650, %mul3A_1166 : vector<16xf32>
      %add3A_1168 = vector.broadcast %reduce_sum3A_534 : f32 to vector<16xf32>
      %add3A_1169 = arith.addf %mul3A_1167, %add3A_1168 : vector<16xf32>
      %mul3A_1170 = vector.broadcast %reduce_sum3A_264 : f32 to vector<16xf32>
      %mul3A_1171 = arith.mulf %get3A_656, %mul3A_1170 : vector<16xf32>
      %add3A_1172 = arith.addf %add3A_1169, %mul3A_1171 : vector<16xf32>
      %mul3A_1173 = vector.broadcast %reduce_sum3A_274 : f32 to vector<16xf32>
      %mul3A_1174 = arith.mulf %get3A_662, %mul3A_1173 : vector<16xf32>
      %add3A_1175 = arith.addf %add3A_1172, %mul3A_1174 : vector<16xf32>
      %mul3A_1176 = vector.broadcast %reduce_sum3A_284 : f32 to vector<16xf32>
      %mul3A_1177 = arith.mulf %get3A_668, %mul3A_1176 : vector<16xf32>
      %add3A_1178 = arith.addf %add3A_1175, %mul3A_1177 : vector<16xf32>
      %mul3A_1179 = vector.broadcast %reduce_sum3A_294 : f32 to vector<16xf32>
      %mul3A_1180 = arith.mulf %get3A_674, %mul3A_1179 : vector<16xf32>
      %add3A_1181 = arith.addf %add3A_1178, %mul3A_1180 : vector<16xf32>
      %mul3A_1182 = vector.broadcast %reduce_sum3A_304 : f32 to vector<16xf32>
      %mul3A_1183 = arith.mulf %get3A_680, %mul3A_1182 : vector<16xf32>
      %add3A_1184 = arith.addf %add3A_1181, %mul3A_1183 : vector<16xf32>
      %add3A_1185 = arith.constant 32 : i32
      %add3A_1186 = arith.addi %mul3A_572, %add3A_1185 : i32
      %swap3A_1187 = arith.constant 4 : i32
      %swap3A_1188 = arith.index_cast %swap3A_1187 : i32 to index
      %swap3A_1189 = arith.index_cast %add3A_1186 : i32 to index
      %swap3A_1190 = tpu.vector_load %arg6[%swap3A_1188, %swap3A_1189] {strides = array<i32>} : memref<8x1024xf32, #tpu.memory_space<vmem>>, vector<16xf32>,
      tpu.vector_store %arg6[%swap3A_1188, %swap3A_1189], %add3A_1184 {strides = array<i32>} : memref<8x1024xf32, #tpu.memory_space<vmem>>, vector<16xf32>,
      %mul3A_1191 = vector.broadcast %reduce_sum3A_254 : f32 to vector<16xf32>
      %mul3A_1192 = arith.mulf %get3A_686, %mul3A_1191 : vector<16xf32>
      %add3A_1193 = vector.broadcast %reduce_sum3A_534 : f32 to vector<16xf32>
      %add3A_1194 = arith.addf %mul3A_1192, %add3A_1193 : vector<16xf32>
      %mul3A_1195 = vector.broadcast %reduce_sum3A_264 : f32 to vector<16xf32>
      %mul3A_1196 = arith.mulf %get3A_692, %mul3A_1195 : vector<16xf32>
      %add3A_1197 = arith.addf %add3A_1194, %mul3A_1196 : vector<16xf32>
      %mul3A_1198 = vector.broadcast %reduce_sum3A_274 : f32 to vector<16xf32>
      %mul3A_1199 = arith.mulf %get3A_698, %mul3A_1198 : vector<16xf32>
      %add3A_1200 = arith.addf %add3A_1197, %mul3A_1199 : vector<16xf32>
      %mul3A_1201 = vector.broadcast %reduce_sum3A_284 : f32 to vector<16xf32>
      %mul3A_1202 = arith.mulf %get3A_704, %mul3A_1201 : vector<16xf32>
      %add3A_1203 = arith.addf %add3A_1200, %mul3A_1202 : vector<16xf32>
      %mul3A_1204 = vector.broadcast %reduce_sum3A_294 : f32 to vector<16xf32>
      %mul3A_1205 = arith.mulf %get3A_710, %mul3A_1204 : vector<16xf32>
      %add3A_1206 = arith.addf %add3A_1203, %mul3A_1205 : vector<16xf32>
      %mul3A_1207 = vector.broadcast %reduce_sum3A_304 : f32 to vector<16xf32>
      %mul3A_1208 = arith.mulf %get3A_716, %mul3A_1207 : vector<16xf32>
      %add3A_1209 = arith.addf %add3A_1206, %mul3A_1208 : vector<16xf32>
      %add3A_1210 = arith.constant 48 : i32
      %add3A_1211 = arith.addi %mul3A_572, %add3A_1210 : i32
      %swap3A_1212 = arith.constant 4 : i32
      %swap3A_1213 = arith.index_cast %swap3A_1212 : i32 to index
      %swap3A_1214 = arith.index_cast %add3A_1211 : i32 to index
      %swap3A_1215 = tpu.vector_load %arg6[%swap3A_1213, %swap3A_1214] {strides = array<i32>} : memref<8x1024xf32, #tpu.memory_space<vmem>>, vector<16xf32>,
      tpu.vector_store %arg6[%swap3A_1213, %swap3A_1214], %add3A_1209 {strides = array<i32>} : memref<8x1024xf32, #tpu.memory_space<vmem>>, vector<16xf32>,
      %mul3A_1216 = vector.broadcast %reduce_sum3A_314 : f32 to vector<16xf32>
      %mul3A_1217 = arith.mulf %get3A_578, %mul3A_1216 : vector<16xf32>
      %add3A_1218 = vector.broadcast %reduce_sum3A_544 : f32 to vector<16xf32>
      %add3A_1219 = arith.addf %mul3A_1217, %add3A_1218 : vector<16xf32>
      %mul3A_1220 = vector.broadcast %reduce_sum3A_324 : f32 to vector<16xf32>
      %mul3A_1221 = arith.mulf %get3A_584, %mul3A_1220 : vector<16xf32>
      %add3A_1222 = arith.addf %add3A_1219, %mul3A_1221 : vector<16xf32>
      %mul3A_1223 = vector.broadcast %reduce_sum3A_334 : f32 to vector<16xf32>
      %mul3A_1224 = arith.mulf %get3A_590, %mul3A_1223 : vector<16xf32>
      %add3A_1225 = arith.addf %add3A_1222, %mul3A_1224 : vector<16xf32>
      %mul3A_1226 = vector.broadcast %reduce_sum3A_344 : f32 to vector<16xf32>
      %mul3A_1227 = arith.mulf %get3A_596, %mul3A_1226 : vector<16xf32>
      %add3A_1228 = arith.addf %add3A_1225, %mul3A_1227 : vector<16xf32>
      %mul3A_1229 = vector.broadcast %reduce_sum3A_354 : f32 to vector<16xf32>
      %mul3A_1230 = arith.mulf %get3A_602, %mul3A_1229 : vector<16xf32>
      %add3A_1231 = arith.addf %add3A_1228, %mul3A_1230 : vector<16xf32>
      %mul3A_1232 = vector.broadcast %reduce_sum3A_364 : f32 to vector<16xf32>
      %mul3A_1233 = arith.mulf %get3A_608, %mul3A_1232 : vector<16xf32>
      %add3A_1234 = arith.addf %add3A_1231, %mul3A_1233 : vector<16xf32>
      %add3A_1235 = arith.constant 0 : i32
      %add3A_1236 = arith.addi %mul3A_572, %add3A_1235 : i32
      %swap3A_1237 = arith.constant 5 : i32
      %swap3A_1238 = arith.index_cast %swap3A_1237 : i32 to index
      %swap3A_1239 = arith.index_cast %add3A_1236 : i32 to index
      %swap3A_1240 = tpu.vector_load %arg6[%swap3A_1238, %swap3A_1239] {strides = array<i32>} : memref<8x1024xf32, #tpu.memory_space<vmem>>, vector<16xf32>,
      tpu.vector_store %arg6[%swap3A_1238, %swap3A_1239], %add3A_1234 {strides = array<i32>} : memref<8x1024xf32, #tpu.memory_space<vmem>>, vector<16xf32>,
      %mul3A_1241 = vector.broadcast %reduce_sum3A_314 : f32 to vector<16xf32>
      %mul3A_1242 = arith.mulf %get3A_614, %mul3A_1241 : vector<16xf32>
      %add3A_1243 = vector.broadcast %reduce_sum3A_544 : f32 to vector<16xf32>
      %add3A_1244 = arith.addf %mul3A_1242, %add3A_1243 : vector<16xf32>
      %mul3A_1245 = vector.broadcast %reduce_sum3A_324 : f32 to vector<16xf32>
      %mul3A_1246 = arith.mulf %get3A_620, %mul3A_1245 : vector<16xf32>
      %add3A_1247 = arith.addf %add3A_1244, %mul3A_1246 : vector<16xf32>
      %mul3A_1248 = vector.broadcast %reduce_sum3A_334 : f32 to vector<16xf32>
      %mul3A_1249 = arith.mulf %get3A_626, %mul3A_1248 : vector<16xf32>
      %add3A_1250 = arith.addf %add3A_1247, %mul3A_1249 : vector<16xf32>
      %mul3A_1251 = vector.broadcast %reduce_sum3A_344 : f32 to vector<16xf32>
      %mul3A_1252 = arith.mulf %get3A_632, %mul3A_1251 : vector<16xf32>
      %add3A_1253 = arith.addf %add3A_1250, %mul3A_1252 : vector<16xf32>
      %mul3A_1254 = vector.broadcast %reduce_sum3A_354 : f32 to vector<16xf32>
      %mul3A_1255 = arith.mulf %get3A_638, %mul3A_1254 : vector<16xf32>
      %add3A_1256 = arith.addf %add3A_1253, %mul3A_1255 : vector<16xf32>
      %mul3A_1257 = vector.broadcast %reduce_sum3A_364 : f32 to vector<16xf32>
      %mul3A_1258 = arith.mulf %get3A_644, %mul3A_1257 : vector<16xf32>
      %add3A_1259 = arith.addf %add3A_1256, %mul3A_1258 : vector<16xf32>
      %add3A_1260 = arith.constant 16 : i32
      %add3A_1261 = arith.addi %mul3A_572, %add3A_1260 : i32
      %swap3A_1262 = arith.constant 5 : i32
      %swap3A_1263 = arith.index_cast %swap3A_1262 : i32 to index
      %swap3A_1264 = arith.index_cast %add3A_1261 : i32 to index
      %swap3A_1265 = tpu.vector_load %arg6[%swap3A_1263, %swap3A_1264] {strides = array<i32>} : memref<8x1024xf32, #tpu.memory_space<vmem>>, vector<16xf32>,
      tpu.vector_store %arg6[%swap3A_1263, %swap3A_1264], %add3A_1259 {strides = array<i32>} : memref<8x1024xf32, #tpu.memory_space<vmem>>, vector<16xf32>,
      %mul3A_1266 = vector.broadcast %reduce_sum3A_314 : f32 to vector<16xf32>
      %mul3A_1267 = arith.mulf %get3A_650, %mul3A_1266 : vector<16xf32>
      %add3A_1268 = vector.broadcast %reduce_sum3A_544 : f32 to vector<16xf32>
      %add3A_1269 = arith.addf %mul3A_1267, %add3A_1268 : vector<16xf32>
      %mul3A_1270 = vector.broadcast %reduce_sum3A_324 : f32 to vector<16xf32>
      %mul3A_1271 = arith.mulf %get3A_656, %mul3A_1270 : vector<16xf32>
      %add3A_1272 = arith.addf %add3A_1269, %mul3A_1271 : vector<16xf32>
      %mul3A_1273 = vector.broadcast %reduce_sum3A_334 : f32 to vector<16xf32>
      %mul3A_1274 = arith.mulf %get3A_662, %mul3A_1273 : vector<16xf32>
      %add3A_1275 = arith.addf %add3A_1272, %mul3A_1274 : vector<16xf32>
      %mul3A_1276 = vector.broadcast %reduce_sum3A_344 : f32 to vector<16xf32>
      %mul3A_1277 = arith.mulf %get3A_668, %mul3A_1276 : vector<16xf32>
      %add3A_1278 = arith.addf %add3A_1275, %mul3A_1277 : vector<16xf32>
      %mul3A_1279 = vector.broadcast %reduce_sum3A_354 : f32 to vector<16xf32>
      %mul3A_1280 = arith.mulf %get3A_674, %mul3A_1279 : vector<16xf32>
      %add3A_1281 = arith.addf %add3A_1278, %mul3A_1280 : vector<16xf32>
      %mul3A_1282 = vector.broadcast %reduce_sum3A_364 : f32 to vector<16xf32>
      %mul3A_1283 = arith.mulf %get3A_680, %mul3A_1282 : vector<16xf32>
      %add3A_1284 = arith.addf %add3A_1281, %mul3A_1283 : vector<16xf32>
      %add3A_1285 = arith.constant 32 : i32
      %add3A_1286 = arith.addi %mul3A_572, %add3A_1285 : i32
      %swap3A_1287 = arith.constant 5 : i32
      %swap3A_1288 = arith.index_cast %swap3A_1287 : i32 to index
      %swap3A_1289 = arith.index_cast %add3A_1286 : i32 to index
      %swap3A_1290 = tpu.vector_load %arg6[%swap3A_1288, %swap3A_1289] {strides = array<i32>} : memref<8x1024xf32, #tpu.memory_space<vmem>>, vector<16xf32>,
      tpu.vector_store %arg6[%swap3A_1288, %swap3A_1289], %add3A_1284 {strides = array<i32>} : memref<8x1024xf32, #tpu.memory_space<vmem>>, vector<16xf32>,
      %mul3A_1291 = vector.broadcast %reduce_sum3A_314 : f32 to vector<16xf32>
      %mul3A_1292 = arith.mulf %get3A_686, %mul3A_1291 : vector<16xf32>
      %add3A_1293 = vector.broadcast %reduce_sum3A_544 : f32 to vector<16xf32>
      %add3A_1294 = arith.addf %mul3A_1292, %add3A_1293 : vector<16xf32>
      %mul3A_1295 = vector.broadcast %reduce_sum3A_324 : f32 to vector<16xf32>
      %mul3A_1296 = arith.mulf %get3A_692, %mul3A_1295 : vector<16xf32>
      %add3A_1297 = arith.addf %add3A_1294, %mul3A_1296 : vector<16xf32>
      %mul3A_1298 = vector.broadcast %reduce_sum3A_334 : f32 to vector<16xf32>
      %mul3A_1299 = arith.mulf %get3A_698, %mul3A_1298 : vector<16xf32>
      %add3A_1300 = arith.addf %add3A_1297, %mul3A_1299 : vector<16xf32>
      %mul3A_1301 = vector.broadcast %reduce_sum3A_344 : f32 to vector<16xf32>
      %mul3A_1302 = arith.mulf %get3A_704, %mul3A_1301 : vector<16xf32>
      %add3A_1303 = arith.addf %add3A_1300, %mul3A_1302 : vector<16xf32>
      %mul3A_1304 = vector.broadcast %reduce_sum3A_354 : f32 to vector<16xf32>
      %mul3A_1305 = arith.mulf %get3A_710, %mul3A_1304 : vector<16xf32>
      %add3A_1306 = arith.addf %add3A_1303, %mul3A_1305 : vector<16xf32>
      %mul3A_1307 = vector.broadcast %reduce_sum3A_364 : f32 to vector<16xf32>
      %mul3A_1308 = arith.mulf %get3A_716, %mul3A_1307 : vector<16xf32>
      %add3A_1309 = arith.addf %add3A_1306, %mul3A_1308 : vector<16xf32>
      %add3A_1310 = arith.constant 48 : i32
      %add3A_1311 = arith.addi %mul3A_572, %add3A_1310 : i32
      %swap3A_1312 = arith.constant 5 : i32
      %swap3A_1313 = arith.index_cast %swap3A_1312 : i32 to index
      %swap3A_1314 = arith.index_cast %add3A_1311 : i32 to index
      %swap3A_1315 = tpu.vector_load %arg6[%swap3A_1313, %swap3A_1314] {strides = array<i32>} : memref<8x1024xf32, #tpu.memory_space<vmem>>, vector<16xf32>,
      tpu.vector_store %arg6[%swap3A_1313, %swap3A_1314], %add3A_1309 {strides = array<i32>} : memref<8x1024xf32, #tpu.memory_space<vmem>>, vector<16xf32>,
      %mul3A_1316 = vector.broadcast %reduce_sum3A_374 : f32 to vector<16xf32>
      %mul3A_1317 = arith.mulf %get3A_578, %mul3A_1316 : vector<16xf32>
      %add3A_1318 = vector.broadcast %reduce_sum3A_554 : f32 to vector<16xf32>
      %add3A_1319 = arith.addf %mul3A_1317, %add3A_1318 : vector<16xf32>
      %mul3A_1320 = vector.broadcast %reduce_sum3A_384 : f32 to vector<16xf32>
      %mul3A_1321 = arith.mulf %get3A_584, %mul3A_1320 : vector<16xf32>
      %add3A_1322 = arith.addf %add3A_1319, %mul3A_1321 : vector<16xf32>
      %mul3A_1323 = vector.broadcast %reduce_sum3A_394 : f32 to vector<16xf32>
      %mul3A_1324 = arith.mulf %get3A_590, %mul3A_1323 : vector<16xf32>
      %add3A_1325 = arith.addf %add3A_1322, %mul3A_1324 : vector<16xf32>
      %mul3A_1326 = vector.broadcast %reduce_sum3A_404 : f32 to vector<16xf32>
      %mul3A_1327 = arith.mulf %get3A_596, %mul3A_1326 : vector<16xf32>
      %add3A_1328 = arith.addf %add3A_1325, %mul3A_1327 : vector<16xf32>
      %mul3A_1329 = vector.broadcast %reduce_sum3A_414 : f32 to vector<16xf32>
      %mul3A_1330 = arith.mulf %get3A_602, %mul3A_1329 : vector<16xf32>
      %add3A_1331 = arith.addf %add3A_1328, %mul3A_1330 : vector<16xf32>
      %mul3A_1332 = vector.broadcast %reduce_sum3A_424 : f32 to vector<16xf32>
      %mul3A_1333 = arith.mulf %get3A_608, %mul3A_1332 : vector<16xf32>
      %add3A_1334 = arith.addf %add3A_1331, %mul3A_1333 : vector<16xf32>
      %add3A_1335 = arith.constant 0 : i32
      %add3A_1336 = arith.addi %mul3A_572, %add3A_1335 : i32
      %swap3A_1337 = arith.constant 6 : i32
      %swap3A_1338 = arith.index_cast %swap3A_1337 : i32 to index
      %swap3A_1339 = arith.index_cast %add3A_1336 : i32 to index
      %swap3A_1340 = tpu.vector_load %arg6[%swap3A_1338, %swap3A_1339] {strides = array<i32>} : memref<8x1024xf32, #tpu.memory_space<vmem>>, vector<16xf32>,
      tpu.vector_store %arg6[%swap3A_1338, %swap3A_1339], %add3A_1334 {strides = array<i32>} : memref<8x1024xf32, #tpu.memory_space<vmem>>, vector<16xf32>,
      %mul3A_1341 = vector.broadcast %reduce_sum3A_374 : f32 to vector<16xf32>
      %mul3A_1342 = arith.mulf %get3A_614, %mul3A_1341 : vector<16xf32>
      %add3A_1343 = vector.broadcast %reduce_sum3A_554 : f32 to vector<16xf32>
      %add3A_1344 = arith.addf %mul3A_1342, %add3A_1343 : vector<16xf32>
      %mul3A_1345 = vector.broadcast %reduce_sum3A_384 : f32 to vector<16xf32>
      %mul3A_1346 = arith.mulf %get3A_620, %mul3A_1345 : vector<16xf32>
      %add3A_1347 = arith.addf %add3A_1344, %mul3A_1346 : vector<16xf32>
      %mul3A_1348 = vector.broadcast %reduce_sum3A_394 : f32 to vector<16xf32>
      %mul3A_1349 = arith.mulf %get3A_626, %mul3A_1348 : vector<16xf32>
      %add3A_1350 = arith.addf %add3A_1347, %mul3A_1349 : vector<16xf32>
      %mul3A_1351 = vector.broadcast %reduce_sum3A_404 : f32 to vector<16xf32>
      %mul3A_1352 = arith.mulf %get3A_632, %mul3A_1351 : vector<16xf32>
      %add3A_1353 = arith.addf %add3A_1350, %mul3A_1352 : vector<16xf32>
      %mul3A_1354 = vector.broadcast %reduce_sum3A_414 : f32 to vector<16xf32>
      %mul3A_1355 = arith.mulf %get3A_638, %mul3A_1354 : vector<16xf32>
      %add3A_1356 = arith.addf %add3A_1353, %mul3A_1355 : vector<16xf32>
      %mul3A_1357 = vector.broadcast %reduce_sum3A_424 : f32 to vector<16xf32>
      %mul3A_1358 = arith.mulf %get3A_644, %mul3A_1357 : vector<16xf32>
      %add3A_1359 = arith.addf %add3A_1356, %mul3A_1358 : vector<16xf32>
      %add3A_1360 = arith.constant 16 : i32
      %add3A_1361 = arith.addi %mul3A_572, %add3A_1360 : i32
      %swap3A_1362 = arith.constant 6 : i32
      %swap3A_1363 = arith.index_cast %swap3A_1362 : i32 to index
      %swap3A_1364 = arith.index_cast %add3A_1361 : i32 to index
      %swap3A_1365 = tpu.vector_load %arg6[%swap3A_1363, %swap3A_1364] {strides = array<i32>} : memref<8x1024xf32, #tpu.memory_space<vmem>>, vector<16xf32>,
      tpu.vector_store %arg6[%swap3A_1363, %swap3A_1364], %add3A_1359 {strides = array<i32>} : memref<8x1024xf32, #tpu.memory_space<vmem>>, vector<16xf32>,
      %mul3A_1366 = vector.broadcast %reduce_sum3A_374 : f32 to vector<16xf32>
      %mul3A_1367 = arith.mulf %get3A_650, %mul3A_1366 : vector<16xf32>
      %add3A_1368 = vector.broadcast %reduce_sum3A_554 : f32 to vector<16xf32>
      %add3A_1369 = arith.addf %mul3A_1367, %add3A_1368 : vector<16xf32>
      %mul3A_1370 = vector.broadcast %reduce_sum3A_384 : f32 to vector<16xf32>
      %mul3A_1371 = arith.mulf %get3A_656, %mul3A_1370 : vector<16xf32>
      %add3A_1372 = arith.addf %add3A_1369, %mul3A_1371 : vector<16xf32>
      %mul3A_1373 = vector.broadcast %reduce_sum3A_394 : f32 to vector<16xf32>
      %mul3A_1374 = arith.mulf %get3A_662, %mul3A_1373 : vector<16xf32>
      %add3A_1375 = arith.addf %add3A_1372, %mul3A_1374 : vector<16xf32>
      %mul3A_1376 = vector.broadcast %reduce_sum3A_404 : f32 to vector<16xf32>
      %mul3A_1377 = arith.mulf %get3A_668, %mul3A_1376 : vector<16xf32>
      %add3A_1378 = arith.addf %add3A_1375, %mul3A_1377 : vector<16xf32>
      %mul3A_1379 = vector.broadcast %reduce_sum3A_414 : f32 to vector<16xf32>
      %mul3A_1380 = arith.mulf %get3A_674, %mul3A_1379 : vector<16xf32>
      %add3A_1381 = arith.addf %add3A_1378, %mul3A_1380 : vector<16xf32>
      %mul3A_1382 = vector.broadcast %reduce_sum3A_424 : f32 to vector<16xf32>
      %mul3A_1383 = arith.mulf %get3A_680, %mul3A_1382 : vector<16xf32>
      %add3A_1384 = arith.addf %add3A_1381, %mul3A_1383 : vector<16xf32>
      %add3A_1385 = arith.constant 32 : i32
      %add3A_1386 = arith.addi %mul3A_572, %add3A_1385 : i32
      %swap3A_1387 = arith.constant 6 : i32
      %swap3A_1388 = arith.index_cast %swap3A_1387 : i32 to index
      %swap3A_1389 = arith.index_cast %add3A_1386 : i32 to index
      %swap3A_1390 = tpu.vector_load %arg6[%swap3A_1388, %swap3A_1389] {strides = array<i32>} : memref<8x1024xf32, #tpu.memory_space<vmem>>, vector<16xf32>,
      tpu.vector_store %arg6[%swap3A_1388, %swap3A_1389], %add3A_1384 {strides = array<i32>} : memref<8x1024xf32, #tpu.memory_space<vmem>>, vector<16xf32>,
      %mul3A_1391 = vector.broadcast %reduce_sum3A_374 : f32 to vector<16xf32>
      %mul3A_1392 = arith.mulf %get3A_686, %mul3A_1391 : vector<16xf32>
      %add3A_1393 = vector.broadcast %reduce_sum3A_554 : f32 to vector<16xf32>
      %add3A_1394 = arith.addf %mul3A_1392, %add3A_1393 : vector<16xf32>
      %mul3A_1395 = vector.broadcast %reduce_sum3A_384 : f32 to vector<16xf32>
      %mul3A_1396 = arith.mulf %get3A_692, %mul3A_1395 : vector<16xf32>
      %add3A_1397 = arith.addf %add3A_1394, %mul3A_1396 : vector<16xf32>
      %mul3A_1398 = vector.broadcast %reduce_sum3A_394 : f32 to vector<16xf32>
      %mul3A_1399 = arith.mulf %get3A_698, %mul3A_1398 : vector<16xf32>
      %add3A_1400 = arith.addf %add3A_1397, %mul3A_1399 : vector<16xf32>
      %mul3A_1401 = vector.broadcast %reduce_sum3A_404 : f32 to vector<16xf32>
      %mul3A_1402 = arith.mulf %get3A_704, %mul3A_1401 : vector<16xf32>
      %add3A_1403 = arith.addf %add3A_1400, %mul3A_1402 : vector<16xf32>
      %mul3A_1404 = vector.broadcast %reduce_sum3A_414 : f32 to vector<16xf32>
      %mul3A_1405 = arith.mulf %get3A_710, %mul3A_1404 : vector<16xf32>
      %add3A_1406 = arith.addf %add3A_1403, %mul3A_1405 : vector<16xf32>
      %mul3A_1407 = vector.broadcast %reduce_sum3A_424 : f32 to vector<16xf32>
      %mul3A_1408 = arith.mulf %get3A_716, %mul3A_1407 : vector<16xf32>
      %add3A_1409 = arith.addf %add3A_1406, %mul3A_1408 : vector<16xf32>
      %add3A_1410 = arith.constant 48 : i32
      %add3A_1411 = arith.addi %mul3A_572, %add3A_1410 : i32
      %swap3A_1412 = arith.constant 6 : i32
      %swap3A_1413 = arith.index_cast %swap3A_1412 : i32 to index
      %swap3A_1414 = arith.index_cast %add3A_1411 : i32 to index
      %swap3A_1415 = tpu.vector_load %arg6[%swap3A_1413, %swap3A_1414] {strides = array<i32>} : memref<8x1024xf32, #tpu.memory_space<vmem>>, vector<16xf32>,
      tpu.vector_store %arg6[%swap3A_1413, %swap3A_1414], %add3A_1409 {strides = array<i32>} : memref<8x1024xf32, #tpu.memory_space<vmem>>, vector<16xf32>,
      %mul3A_1416 = vector.broadcast %reduce_sum3A_434 : f32 to vector<16xf32>
      %mul3A_1417 = arith.mulf %get3A_578, %mul3A_1416 : vector<16xf32>
      %add3A_1418 = vector.broadcast %reduce_sum3A_564 : f32 to vector<16xf32>
      %add3A_1419 = arith.addf %mul3A_1417, %add3A_1418 : vector<16xf32>
      %mul3A_1420 = vector.broadcast %reduce_sum3A_444 : f32 to vector<16xf32>
      %mul3A_1421 = arith.mulf %get3A_584, %mul3A_1420 : vector<16xf32>
      %add3A_1422 = arith.addf %add3A_1419, %mul3A_1421 : vector<16xf32>
      %mul3A_1423 = vector.broadcast %reduce_sum3A_454 : f32 to vector<16xf32>
      %mul3A_1424 = arith.mulf %get3A_590, %mul3A_1423 : vector<16xf32>
      %add3A_1425 = arith.addf %add3A_1422, %mul3A_1424 : vector<16xf32>
      %mul3A_1426 = vector.broadcast %reduce_sum3A_464 : f32 to vector<16xf32>
      %mul3A_1427 = arith.mulf %get3A_596, %mul3A_1426 : vector<16xf32>
      %add3A_1428 = arith.addf %add3A_1425, %mul3A_1427 : vector<16xf32>
      %mul3A_1429 = vector.broadcast %reduce_sum3A_474 : f32 to vector<16xf32>
      %mul3A_1430 = arith.mulf %get3A_602, %mul3A_1429 : vector<16xf32>
      %add3A_1431 = arith.addf %add3A_1428, %mul3A_1430 : vector<16xf32>
      %mul3A_1432 = vector.broadcast %reduce_sum3A_484 : f32 to vector<16xf32>
      %mul3A_1433 = arith.mulf %get3A_608, %mul3A_1432 : vector<16xf32>
      %add3A_1434 = arith.addf %add3A_1431, %mul3A_1433 : vector<16xf32>
      %add3A_1435 = arith.constant 0 : i32
      %add3A_1436 = arith.addi %mul3A_572, %add3A_1435 : i32
      %swap3A_1437 = arith.constant 7 : i32
      %swap3A_1438 = arith.index_cast %swap3A_1437 : i32 to index
      %swap3A_1439 = arith.index_cast %add3A_1436 : i32 to index
      %swap3A_1440 = tpu.vector_load %arg6[%swap3A_1438, %swap3A_1439] {strides = array<i32>} : memref<8x1024xf32, #tpu.memory_space<vmem>>, vector<16xf32>,
      tpu.vector_store %arg6[%swap3A_1438, %swap3A_1439], %add3A_1434 {strides = array<i32>} : memref<8x1024xf32, #tpu.memory_space<vmem>>, vector<16xf32>,
      %mul3A_1441 = vector.broadcast %reduce_sum3A_434 : f32 to vector<16xf32>
      %mul3A_1442 = arith.mulf %get3A_614, %mul3A_1441 : vector<16xf32>
      %add3A_1443 = vector.broadcast %reduce_sum3A_564 : f32 to vector<16xf32>
      %add3A_1444 = arith.addf %mul3A_1442, %add3A_1443 : vector<16xf32>
      %mul3A_1445 = vector.broadcast %reduce_sum3A_444 : f32 to vector<16xf32>
      %mul3A_1446 = arith.mulf %get3A_620, %mul3A_1445 : vector<16xf32>
      %add3A_1447 = arith.addf %add3A_1444, %mul3A_1446 : vector<16xf32>
      %mul3A_1448 = vector.broadcast %reduce_sum3A_454 : f32 to vector<16xf32>
      %mul3A_1449 = arith.mulf %get3A_626, %mul3A_1448 : vector<16xf32>
      %add3A_1450 = arith.addf %add3A_1447, %mul3A_1449 : vector<16xf32>
      %mul3A_1451 = vector.broadcast %reduce_sum3A_464 : f32 to vector<16xf32>
      %mul3A_1452 = arith.mulf %get3A_632, %mul3A_1451 : vector<16xf32>
      %add3A_1453 = arith.addf %add3A_1450, %mul3A_1452 : vector<16xf32>
      %mul3A_1454 = vector.broadcast %reduce_sum3A_474 : f32 to vector<16xf32>
      %mul3A_1455 = arith.mulf %get3A_638, %mul3A_1454 : vector<16xf32>
      %add3A_1456 = arith.addf %add3A_1453, %mul3A_1455 : vector<16xf32>
      %mul3A_1457 = vector.broadcast %reduce_sum3A_484 : f32 to vector<16xf32>
      %mul3A_1458 = arith.mulf %get3A_644, %mul3A_1457 : vector<16xf32>
      %add3A_1459 = arith.addf %add3A_1456, %mul3A_1458 : vector<16xf32>
      %add3A_1460 = arith.constant 16 : i32
      %add3A_1461 = arith.addi %mul3A_572, %add3A_1460 : i32
      %swap3A_1462 = arith.constant 7 : i32
      %swap3A_1463 = arith.index_cast %swap3A_1462 : i32 to index
      %swap3A_1464 = arith.index_cast %add3A_1461 : i32 to index
      %swap3A_1465 = tpu.vector_load %arg6[%swap3A_1463, %swap3A_1464] {strides = array<i32>} : memref<8x1024xf32, #tpu.memory_space<vmem>>, vector<16xf32>,
      tpu.vector_store %arg6[%swap3A_1463, %swap3A_1464], %add3A_1459 {strides = array<i32>} : memref<8x1024xf32, #tpu.memory_space<vmem>>, vector<16xf32>,
      %mul3A_1466 = vector.broadcast %reduce_sum3A_434 : f32 to vector<16xf32>
      %mul3A_1467 = arith.mulf %get3A_650, %mul3A_1466 : vector<16xf32>
      %add3A_1468 = vector.broadcast %reduce_sum3A_564 : f32 to vector<16xf32>
      %add3A_1469 = arith.addf %mul3A_1467, %add3A_1468 : vector<16xf32>
      %mul3A_1470 = vector.broadcast %reduce_sum3A_444 : f32 to vector<16xf32>
      %mul3A_1471 = arith.mulf %get3A_656, %mul3A_1470 : vector<16xf32>
      %add3A_1472 = arith.addf %add3A_1469, %mul3A_1471 : vector<16xf32>
      %mul3A_1473 = vector.broadcast %reduce_sum3A_454 : f32 to vector<16xf32>
      %mul3A_1474 = arith.mulf %get3A_662, %mul3A_1473 : vector<16xf32>
      %add3A_1475 = arith.addf %add3A_1472, %mul3A_1474 : vector<16xf32>
      %mul3A_1476 = vector.broadcast %reduce_sum3A_464 : f32 to vector<16xf32>
      %mul3A_1477 = arith.mulf %get3A_668, %mul3A_1476 : vector<16xf32>
      %add3A_1478 = arith.addf %add3A_1475, %mul3A_1477 : vector<16xf32>
      %mul3A_1479 = vector.broadcast %reduce_sum3A_474 : f32 to vector<16xf32>
      %mul3A_1480 = arith.mulf %get3A_674, %mul3A_1479 : vector<16xf32>
      %add3A_1481 = arith.addf %add3A_1478, %mul3A_1480 : vector<16xf32>
      %mul3A_1482 = vector.broadcast %reduce_sum3A_484 : f32 to vector<16xf32>
      %mul3A_1483 = arith.mulf %get3A_680, %mul3A_1482 : vector<16xf32>
      %add3A_1484 = arith.addf %add3A_1481, %mul3A_1483 : vector<16xf32>
      %add3A_1485 = arith.constant 32 : i32
      %add3A_1486 = arith.addi %mul3A_572, %add3A_1485 : i32
      %swap3A_1487 = arith.constant 7 : i32
      %swap3A_1488 = arith.index_cast %swap3A_1487 : i32 to index
      %swap3A_1489 = arith.index_cast %add3A_1486 : i32 to index
      %swap3A_1490 = tpu.vector_load %arg6[%swap3A_1488, %swap3A_1489] {strides = array<i32>} : memref<8x1024xf32, #tpu.memory_space<vmem>>, vector<16xf32>,
      tpu.vector_store %arg6[%swap3A_1488, %swap3A_1489], %add3A_1484 {strides = array<i32>} : memref<8x1024xf32, #tpu.memory_space<vmem>>, vector<16xf32>,
      %mul3A_1491 = vector.broadcast %reduce_sum3A_434 : f32 to vector<16xf32>
      %mul3A_1492 = arith.mulf %get3A_686, %mul3A_1491 : vector<16xf32>
      %add3A_1493 = vector.broadcast %reduce_sum3A_564 : f32 to vector<16xf32>
      %add3A_1494 = arith.addf %mul3A_1492, %add3A_1493 : vector<16xf32>
      %mul3A_1495 = vector.broadcast %reduce_sum3A_444 : f32 to vector<16xf32>
      %mul3A_1496 = arith.mulf %get3A_692, %mul3A_1495 : vector<16xf32>
      %add3A_1497 = arith.addf %add3A_1494, %mul3A_1496 : vector<16xf32>
      %mul3A_1498 = vector.broadcast %reduce_sum3A_454 : f32 to vector<16xf32>
      %mul3A_1499 = arith.mulf %get3A_698, %mul3A_1498 : vector<16xf32>
      %add3A_1500 = arith.addf %add3A_1497, %mul3A_1499 : vector<16xf32>
      %mul3A_1501 = vector.broadcast %reduce_sum3A_464 : f32 to vector<16xf32>
      %mul3A_1502 = arith.mulf %get3A_704, %mul3A_1501 : vector<16xf32>
      %add3A_1503 = arith.addf %add3A_1500, %mul3A_1502 : vector<16xf32>
      %mul3A_1504 = vector.broadcast %reduce_sum3A_474 : f32 to vector<16xf32>
      %mul3A_1505 = arith.mulf %get3A_710, %mul3A_1504 : vector<16xf32>
      %add3A_1506 = arith.addf %add3A_1503, %mul3A_1505 : vector<16xf32>
      %mul3A_1507 = vector.broadcast %reduce_sum3A_484 : f32 to vector<16xf32>
      %mul3A_1508 = arith.mulf %get3A_716, %mul3A_1507 : vector<16xf32>
      %add3A_1509 = arith.addf %add3A_1506, %mul3A_1508 : vector<16xf32>
      %add3A_1510 = arith.constant 48 : i32
      %add3A_1511 = arith.addi %mul3A_572, %add3A_1510 : i32
      %swap3A_1512 = arith.constant 7 : i32
      %swap3A_1513 = arith.index_cast %swap3A_1512 : i32 to index
      %swap3A_1514 = arith.index_cast %add3A_1511 : i32 to index
      %swap3A_1515 = tpu.vector_load %arg6[%swap3A_1513, %swap3A_1514] {strides = array<i32>} : memref<8x1024xf32, #tpu.memory_space<vmem>>, vector<16xf32>,
      tpu.vector_store %arg6[%swap3A_1513, %swap3A_1514], %add3A_1509 {strides = array<i32>} : memref<8x1024xf32, #tpu.memory_space<vmem>>, vector<16xf32>,
    }
    %scan3A_569 = arith.constant 16 : i32
    "tpu.region"() ({
      %run_scoped3A = tpu.sem_alloc : memref<!tpu.dma_semaphore, #tpu.memory_space<semaphore_mem>>
      %dma_start3A = arith.constant 0 : i32
      %dma_start3A_570 = tpu.memref_slice %arg4[%dma_start3A, %mul3A_2] : memref<8x32768xf32, #tpu.memory_space<hbm>> -> memref<8x1024xf32, #tpu.memory_space<hbm>>
      %dma_start3A_571 = arith.constant 0 : i32
      %dma_start3A_572 = tpu.memref_slice %arg4[%dma_start3A_571, %mul3A_2] : memref<8x32768xf32, #tpu.memory_space<hbm>> -> memref<8x1024xf32, #tpu.memory_space<hbm>>
      tpu.enqueue_dma source(%arg6 : memref<8x1024xf32, #tpu.memory_space<vmem>>) target(%dma_start3A_572 : memref<8x1024xf32, #tpu.memory_space<hbm>>) target_semaphore(%run_scoped3A : memref<!tpu.dma_semaphore, #tpu.memory_space<semaphore_mem>>)
      %dma_wait3A = arith.constant 0 : i32
      %dma_wait3A_573 = tpu.memref_slice %arg4[%dma_wait3A, %mul3A_2] : memref<8x32768xf32, #tpu.memory_space<hbm>> -> memref<8x1024xf32, #tpu.memory_space<hbm>>
      %dma_wait3A_574 = arith.constant 0 : i32
      %dma_wait3A_575 = tpu.memref_slice %arg4[%dma_wait3A_574, %mul3A_2] : memref<8x32768xf32, #tpu.memory_space<hbm>> -> memref<8x1024xf32, #tpu.memory_space<hbm>>
      tpu.wait_dma2 semaphore(%run_scoped3A : memref<!tpu.dma_semaphore, #tpu.memory_space<semaphore_mem>>) src(%arg6 : memref<8x1024xf32, #tpu.memory_space<vmem>>) dst(%dma_wait3A_575 : memref<8x1024xf32, #tpu.memory_space<hbm>>)
      tpu.yield
    }) : () -> ()
    return
  }
}

</mosaic_0001>

<sc_bundles>
// kernel: kernel.3.cloned.1.call-start
scs
__scs_entry_jumppad:
0x0: {  	(pc) =	sbr.rel $0x88, $3  }
0x1: {  	(tag) =	ssettag $0x0;
	lr =	simm.s32 $0x1  }
0x2: {  	[smem:$0x3F9E] =	sst lr;
	_ =	strace $0xD0000000  }
0x3: {  	_ = 	snop  }
0x4: {  	_ = 	snop  }
0x5: {  	_ = 	snop  }
0x6: {  	_ = 	snop  }
0x7: {  	_ = 	snop  }
__scs_overlays_trampoline_lowered:
0x8: {  	[smem:$0x3FAD] =	sst s0  }
0x9: {  	[smem:$0x3FAE] =	sst s1  }
0xa: {  	[smem:$0x3FAF] =	sst s2  }
0xb: {  	[smem:$0x3FB0] =	sst s3  }
0xc: {  	[smem:$0x3FB1] =	sst s4  }
0xd: {  	[smem:$0x3FB2] =	sst s5  }
0xe: {  	[smem:$0x3FB3] =	sst s6  }
0xf: {  	[smem:$0x3FB4] =	sst s7  }
0x10: {  	[smem:$0x3FB5] =	sst s8  }
0x11: {  	[smem:$0x3FB6] =	sst s9;
	s0 =	simm.s32 @!p0 $0x0  }
0x12: {  	s1 =	sld [smem:$0x3F9C];
	s0 =	simm.s32 @p0 $0x1  }
0x13: {  	[smem:$0x3FB7] =	sst s0;
	s0 =	simm.s32 @!p1 $0x0  }
0x14: {  	s2 =	sld [smem:$0x3F9B];
	s0 =	simm.s32 @p1 $0x1  }
0x15: {  	[smem:$0x3FB8] =	sst s0;
	s0 =	simm.s32 @!p2 $0x0  }
0x16: {  	s3 =	sld [smem:$0x3FDB];
	s0 =	simm.s32 @p2 $0x1  }
0x17: {  	s4 =	simm.s32 $0x1BF5;
	[smem:$0x3FBA] =	sst s0  }
0x18: {  	s0 =	sld [smem:$0x3F9D];
	_ =	swait.ge [sflag:s4], $0x0  }
0x19: {  	s7 =	sld [smem:$0x3F9E]  }
0x1a: {  	s8 =	sadd.s32 $0xFFFFE003, lr  }
0x1b: {  	s9 =	sadd.s32 $0xFFFFFEF7, lr;
	s5 =	simm.s32 $0xFFFFFFFF;
	p2 =	slt.u32 s8, $0xFFFFF086  }
0x1c: {  	p1 =	slt.u32 s9, $0xF7A;
	s5 =	simm.s32 @!p2 $0x0  }
0x1d: {  	s5 =	simm.s32 @p1 $0x1;
	p0 =	seq.s32 s7, s2  }
0x1e: {  	s7 =	smul.u32 @!p0 $0xF7A, s2;
	p2 =	seq.s32 @!p0 s5, $0x0  }
0x1f: {  	s9 =	smul.u32 $0xF7A, s1;
	s8 =	simm.s32 @!p0 $0x1BF5;
	p2 =	por !p2, p0  }
0x20: {  	[sflag:s8] =	ssyncset.s32 @!p0 $0xFFFFF086;
	s6 =	sadd.s32 @!p0 s3, s7;
	s7 =	simm.s32 @!p0 $0x108  }
0x21: {  	s3 =	sadd.s32 s3, s9;
	s6 =	sadd.s32 @!p0 $0x88, s6;
	s7 =	simm.s32 @p2 $0x1082  }
0x22: {  	[simem:s7], [sflag:s8] =	dma.local @!p0 [hbm:s6], $0xF7A  }
0x23: {  	s9 =	sor.u32 $0xD0000000, s2;
	s6 =	simm.s32 $0x108;
	_ =	swait.ge @!p0 [sflag:s8], $0x0  }
0x24: {  	s3 =	sadd.s32 $0x88, s3;
	s6 =	simm.s32 @!p1 $0x1082;
	[sflag:s4] =	ssyncset.s32 $0xFFFFF086  }
0x25: {  	[simem:s6], [sflag:s4] =	dma.local [hbm:s3], $0xF7A  }
0x26: {  	[smem:$0x3F9E] =	sst s1;
	(tag) =	ssettag s2;
	_ =	strace s9  }
0x27: {  	s1 =	sld [smem:$0x3FAE]  }
0x28: {  	s2 =	sld [smem:$0x3FAF]  }
0x29: {  	s4 =	sld [smem:$0x3FB1]  }
0x2a: {  	p0 =	seq.s32 s5, $0x0;
	s5 =	sld [smem:$0x3FB2]  }
0x2b: {  	s6 =	sld [smem:$0x3FB3]  }
0x2c: {  	s7 =	sld [smem:$0x3FB4]  }
0x2d: {  	s3 =	simm.s32 $0x108;
	s8 =	sld [smem:$0x3FB5]  }
0x2e: {  	s3 =	simm.s32 @!p0 $0x1082;
	s9 =	sld [smem:$0x3FB6]  }
0x2f: {  	lr =	sadd.s32 s0, s3;
	s0 =	sld [smem:$0x3FAD]  }
0x30: {  	s3 =	sld [smem:$0x3FB0]  }
0x31: {  	[smem:$0x3FB9] =	sst s10  }
0x32: {  	s10 =	sld [smem:$0x3FB7];
	_ =	sdelay $0x3  }
0x33: {  	p0 =	seq.s32 s10, $0x1;
	s10 =	sld [smem:$0x3FB9];
	_ =	sdelay $0x3  }
0x34: {  	[smem:$0x3FB9] =	sst s10  }
0x35: {  	s10 =	sld [smem:$0x3FB8];
	_ =	sdelay $0x3  }
0x36: {  	p1 =	seq.s32 s10, $0x1;
	s10 =	sld [smem:$0x3FB9];
	_ =	sdelay $0x3  }
0x37: {  	[smem:$0x3FB9] =	sst s10  }
0x38: {  	s10 =	sld [smem:$0x3FBA]  }
0x39: {  	_ = 	snop;
	(pc) =	sbr.ind lr, $3  }
0x3a: {  	_ = 	snop  }
0x3b: {  	_ = 	snop  }
0x3c: {  	p2 =	seq.s32 s10, $0x1;
	s10 =	sld [smem:$0x3FB9]  }
0x3d: {  	_ =	shalt  }
0x3e: {  	_ =	shalt  }
0x3f: {  	_ =	shalt  }
0x40: {  	_ =	shalt  }
0x41: {  	_ =	shalt  }
0x42: {  	_ =	shalt  }
0x43: {  	_ =	shalt  }
0x44: {  	_ =	shalt  }
0x45: {  	_ =	shalt  }
0x46: {  	_ =	shalt  }
0x47: {  	_ =	shalt  }
0x48: {  	_ =	shalt  }
0x49: {  	_ =	shalt  }
0x4a: {  	_ =	shalt  }
0x4b: {  	_ =	shalt  }
0x4c: {  	_ =	shalt  }
0x4d: {  	_ =	shalt  }
0x4e: {  	_ =	shalt  }
0x4f: {  	_ =	shalt  }
0x50: {  	_ =	shalt  }
0x51: {  	_ =	shalt  }
0x52: {  	_ =	shalt  }
0x53: {  	_ =	shalt  }
0x54: {  	_ =	shalt  }
0x55: {  	_ =	shalt  }
0x56: {  	_ =	shalt  }
0x57: {  	_ =	shalt  }
0x58: {  	_ =	shalt  }
0x59: {  	_ =	shalt  }
0x5a: {  	_ =	shalt  }
0x5b: {  	_ =	shalt  }
0x5c: {  	_ =	shalt  }
0x5d: {  	_ =	shalt  }
0x5e: {  	_ =	shalt  }
0x5f: {  	_ =	shalt  }
0x60: {  	_ =	shalt  }
0x61: {  	_ =	shalt  }
0x62: {  	_ =	shalt  }
0x63: {  	_ =	shalt  }
0x64: {  	_ =	shalt  }
0x65: {  	_ =	shalt  }
0x66: {  	_ =	shalt  }
0x67: {  	_ =	shalt  }
0x68: {  	_ =	shalt  }
0x69: {  	_ =	shalt  }
0x6a: {  	_ =	shalt  }
0x6b: {  	_ =	shalt  }
0x6c: {  	_ =	shalt  }
0x6d: {  	_ =	shalt  }
0x6e: {  	_ =	shalt  }
0x6f: {  	_ =	shalt  }
0x70: {  	_ =	shalt  }
0x71: {  	_ =	shalt  }
0x72: {  	_ =	shalt  }
0x73: {  	_ =	shalt  }
0x74: {  	_ =	shalt  }
0x75: {  	_ =	shalt  }
0x76: {  	_ =	shalt  }
0x77: {  	_ =	shalt  }
0x78: {  	_ =	shalt  }
0x79: {  	_ =	shalt  }
0x7a: {  	_ =	shalt  }
0x7b: {  	_ =	shalt  }
0x7c: {  	_ =	shalt  }
0x7d: {  	_ =	shalt  }
0x7e: {  	_ =	shalt  }
0x7f: {  	_ =	shalt  }
0x80: {  	_ =	shalt  }
0x81: {  	_ =	shalt  }
0x82: {  	_ =	shalt  }
0x83: {  	_ =	shalt  }
0x84: {  	_ =	shalt  }
0x85: {  	_ =	shalt  }
0x86: {  	_ =	shalt  }
0x87: {  	_ =	shalt  }
.Lfunc_end0:
.L_simem_size_0:
called_computation_lowered:
.L_overlay_start_0:
0x88: {  	s2 =	sld [smem:$0x3FD9]  }
0x89: {  	s3 =	sld [smem:$0x3FFE];
	_ =	sdelay $0x1  }
0x8a: {  	s1 =	srdreg.scid  }
0x8b: {  	s0 =	sand.u32 $0x1, s1  }
0x8c: {  	s17 =	sshll.u32 s0, $0xA;
	s2 =	sadd.s32 s3, s2  }
0x8d: {  	s2 =	sadd.s32 s2, s17  }
0x8e: {  	[smem:$0x3FC5] =	sst s2  }
0x8f: {  	_ = 	snop  }
0x90: {  	s2 =	sld [smem:$0x3FC9]  }
0x91: {  	s18 =	sld [smem:$0x3FD0];
	(tm) =	ssettm $0x1  }
0x92: {  	s4 =	sld [smem:$0x3FFB];
	_ =	sdelay $0x3  }
0x93: {  	_ =	strace s4  }
0x94: {  	s4 =	sld [smem:$0x3FFC];
	_ =	sdelay $0x3  }
0x95: {  	_ =	strace s4  }
0x96: {  	s4 =	sld [smem:$0x3FFD];
	_ =	sdelay $0x3  }
0x97: {  	_ =	strace s4  }
0x98: {  	_ =	strace $0x8FFFFFFF  }
0x99: {  	s19 =	sld [smem:$0x3FDB];
	_ =	sdelay $0x1  }
0x9a: {  	s5 =	simm.s32 $_scs_section_size  }
0x9b: {  	s6 =	simm.s32 $_size__tile_overlayer_lowered;
	s7 =	simm.s32 $_tile_overlayer_lowered  }
0x9c: {  	s22 =	simm.s32 $0x1BFF;
	s21 =	sshll.u32 s7, $0x1;
	s4 =	sadd.s32 s5, s19  }
0x9d: {  	s8 =	simm.s32 $0x0;
	s20 =	sshll.u32 s6, $0x1;
	s6 =	sadd.s32 s21, s4  }
0x9e: {  	[timem:s8], [sflag:s22] =	dma.local [hbm:s6], s20  }
0x9f: {  	_ =	swait.ge [sflag:s22], s20  }
0xa0: {  	s5 =	ssub.s32 $0x0, s20;
	[sflag:s22] =	ssyncset.done $0x0  }
0xa1: {  	[sflag:s22] =	ssyncadd.s32 s5;
	_ =	sdelay $0x1  }
0xa2: {  	s23 =	simm.s32 $0x1B8B  }
0xa3: {  	_ =	swait.ge [sflag:s23], $0x1  }
0xa4: {  	[sflag:s23] =	ssyncset.done $0x0  }
0xa5: {  	s25 =	simm.s32 $0x1B8E;
	s24 =	sld [smem:$0x3FFE];
	[sflag:s23] =	ssyncadd.s32 $0xFFFFFFFF  }
0xa6: {  	s26 =	simm.s32 $execute0_lowered;
	[smem:$0x3FD2] =	sst s25  }
0xa7: {  	s6 =	sshll.u32 s26, $0x1;
	_ =	strace $0x80000046;
	[dreg:$0x1] =	wrdreg $0xFFFFFFFF  }
0xa8: {  	s28 =	simm.s32 $_size_execute0_lowered;
	s4 =	sadd.s32 s4, s6;
	[dreg:$0x0] =	wrdreg $0x0  }
0xa9: {  	s6 =	sshll.u32 s28, $0x1;
	[dreg:$0x2] =	wrdreg s4  }
0xaa: {  	[dreg:$0x3] =	wrdreg s6  }
0xab: {  	[dreg:$0x4] =	wrdreg $0xC0  }
0xac: {  	_ =	task [dreg:s8], $0x5FFFF  }
0xad: {  	[dreg:$0x1] =	wrdreg $0xFFFFFFFF  }
0xae: {  	[dreg:$0x0] =	wrdreg $0x60  }
0xaf: {  	[dreg:$0x2] =	wrdreg s2  }
0xb0: {  	[dreg:$0x3] =	wrdreg s24  }
0xb1: {  	[dreg:$0x4] =	wrdreg s18  }
0xb2: {  	[dreg:$0x5] =	wrdreg $0x9  }
0xb3: {  	_ =	task.clear_ibuf [dreg:s8], $0x6FFFF;
	_ =	strace $0x90000046  }
0xb4: {  	s29 =	simm.s32 $0x9;
	_ =	strace $0x80000048  }
0xb5: {  	_ =	swait.ge [sflag:s29], $0x1  }
0xb6: {  	[sflag:s29] =	ssyncadd.s32 $0xFFFFFFFF  }
0xb7: {  	_ =	strace $0x90000048  }
0xb8: {  	_ =	sfence  }
0xb9: {  	s30 =	sld [smem:$0x0];
	_ =	sdelay $0x2  }
0xba: {  	s31 =	sshll.u32 s1, $0xD;
	s1 =	sshrl.u32 s1, $0x2  }
0xbb: {  	s3 =	sand.u32 $0x4000, s31;
	s1 =	sadd.s32 s1, s30  }
0xbc: {  	s0 =	sor.u32 s3, s0;
	s1 =	sshll.u32 s1, $0x11  }
0xbd: {  	s0 =	sor.u32 s1, s0  }
0xbe: {  	s0 =	sadd.s32 $0x8F2B, s0  }
0xbf: {  	[sflag:s0] =	ssyncadd.remote.s32 $0x1  }
0xc0: {  	_ =	sfence.sel $0xFFFF  }
0xc1: {  	[dreg:$0x0] =	wrdreg $0xFFFFFFFF;
	(pc) =	sbr.abs _section_cstart, $3  }
0xc2: {  	[dreg:$0x1] =	wrdreg $0xFFFFFFFF  }
0xc3: {  	_ =	task.clear_ibuf [dreg:s8], $0x2FFFF;
	_ =	strace $0x9FFFFFFF  }
0xc4: {  	(tm) =	ssettm $0x7FFFFFFF  }
0xc5: {  	_ =	shalt  }
tec
execute0_lowered:
.L_overlay_start_1:
0x0: {  	(tag) =	ssettag $0x1  }
0x1: {  	s4 =	rddreg [dreg:$0x0]  }
0x2: {  	s3 =	rddreg [dreg:$0x1]  }
0x3: {  	s5 =	rddreg [dreg:$0x2]  }
0x4: {  	s0 =	rddreg [dreg:$0x3];
	s2 =	simm.s32 $0x0;
	s6 =	srdreg.scid  }
0x5: {  	s1 =	stileid.u32;
	vm0 =	vmmov $0x1;
	s10 =	simm.s32 $0x0;
	[smem:$0x7FF] =	sst s2  }
0x6: {  	vm1 =	vcmask $0x308;
	vm2 =	vcmask $0x70C;
	vm3 =	vcmask $0xB10;
	s6 =	sand.u32 $0x1, s6;
	s8 =	sshll.u32 s1, $0xB;
	s3 =	sadd.s32 $0x600, s3  }
0x7: {  	vm4 =	vcmask $0xF14;
	vm5 =	vcmask $0x1318;
	vm6 =	vcmask $0x171C;
	s7 =	ssub.s32 $0x2, s6;
	s6 =	sshll.u32 s6, $0xA;
	_ =	strace $0x80000047  }
0x8: {  	vm7 =	vcmask $0x1B20;
	vm8 =	vcmask $0x1F24;
	vm9 =	vcmask $0x2328;
	s9 =	sshrl.u32 s7, $0x1;
	s6 =	sor.u32 s6, s8;
	s8 =	simm.s32 $0x1  }
0x9: {  	vm10 =	vcmask $0x272C;
	vm11 =	vcmask $0x2B30;
	vm12 =	vcmask $0x2F34;
	s7 =	ssub.s32 s7, s9;
	s4 =	sadd.s32 s4, s6;
	s5 =	sadd.s32 s5, s6  }
0xa: {  	vm13 =	vcmask $0x3338;
	vm14 =	vcmask $0x373C;
	vm15 =	vmmov $0x7fff;
	s9 =	simm.s32 $0x2000;
	s6 =	smax.u32 s7, $0x1;
	s7 =	simm.s32 $0x4000  }
.LBB2_1:
0xb: {  	[tilespmem:s7], [sflag:$0x1] =	stream.linear.gather [hbm4b:s3+s2], $0x80, $0x38;
	[tilespmem:$0x4080] =	vst v63  }
0xc: {  	_ =	swait.ge [sflag:s8], $0x80  }
0xd: {  	[sflag:s8] =	ssyncset.done $0x0  }
0xe: {  	[sflag:s8] =	ssyncadd.s32 $0xFFFFFF80  }
0xf: {  	[tilespmem:s2], [sflag:$0x1] =	stream.linear.gather [hbm4b:s4+s2], $0x2000, $0x38;
	[tilespmem:$0x4080] =	vst v63  }
0x10: {  	_ =	swait.ge [sflag:s8], $0x2000  }
0x11: {  	[sflag:s8] =	ssyncset.done $0x0  }
0x12: {  	[sflag:s8] =	ssyncadd.s32 $0xFFFFE000  }
0x13: {  	v4 =	vld [tilespmem:$0x4000];
	_ =	sdelay $0x4  }
0x14: {  	v0 =	vnsel vm0, $0x0, v4  }
0x15: {  	v19 =	vsel vm1, $0x0, v4;
	(xrf2) =	vadd.scan.msk.f32 $0xffff, v0  }
0x16: {  	v20 =	vsel vm2, $0x0, v4;
	(xrf2) =	vadd.scan.msk.f32 $0xffff, v19  }
0x17: {  	v21 =	vsel vm3, $0x0, v4;
	(xrf2) =	vadd.scan.msk.f32 $0xffff, v20  }
0x18: {  	v22 =	vsel vm4, $0x0, v4;
	(xrf2) =	vadd.scan.msk.f32 $0xffff, v21  }
0x19: {  	v23 =	vsel vm5, $0x0, v4;
	(xrf2) =	vadd.scan.msk.f32 $0xffff, v22  }
0x1a: {  	v24 =	vsel vm6, $0x0, v4;
	(xrf2) =	vadd.scan.msk.f32 $0xffff, v23  }
0x1b: {  	v25 =	vsel vm7, $0x0, v4;
	(xrf2) =	vadd.scan.msk.f32 $0xffff, v24  }
0x1c: {  	v26 =	vsel vm8, $0x0, v4;
	(xrf2) =	vadd.scan.msk.f32 $0xffff, v25  }
0x1d: {  	v27 =	vsel vm9, $0x0, v4;
	v1 =	vsel vm10, $0x0, v4;
	(xrf2) =	vadd.scan.msk.f32 $0xffff, v26  }
0x1e: {  	v2 =	vsel vm11, $0x0, v4;
	(xrf2) =	vadd.scan.msk.f32 $0xffff, v27  }
0x1f: {  	v5 =	vld [tilespmem:$0x4010];
	v3 =	vsel vm12, $0x0, v4;
	v0, _, _ =	vpop (xrf2);
	(xrf2) =	vadd.scan.msk.f32 $0xffff, v1  }
0x20: {  	v1, _, _ =	vpop (xrf2);
	(xrf2) =	vadd.scan.msk.f32 $0xffff, v2  }
0x21: {  	v6 =	vsel vm13, $0x0, v4;
	v2, _, _ =	vpop (xrf2);
	(xrf2) =	vadd.scan.msk.f32 $0xffff, v3  }
0x22: {  	v28 =	vsel vm14, $0x0, v4;
	v3, _, _ =	vpop (xrf2);
	(xrf2) =	vadd.scan.msk.f32 $0xffff, v6  }
0x23: {  	v4 =	vsel vm15, $0x0, v4;
	v7, _, _ =	vpop (xrf2);
	(xrf2) =	vadd.scan.msk.f32 $0xffff, v28  }
0x24: {  	v29 =	vnsel vm0, $0x0, v5;
	v6, _, _ =	vpop (xrf2);
	(xrf2) =	vadd.scan.msk.f32 $0xffff, v4  }
0x25: {  	v30 =	vsel vm1, $0x0, v5;
	v8, _, _ =	vpop (xrf2);
	(xrf2) =	vadd.scan.msk.f32 $0xffff, v29  }
0x26: {  	v31 =	vsel vm2, $0x0, v5;
	v9, _, _ =	vpop (xrf2);
	(xrf2) =	vadd.scan.msk.f32 $0xffff, v30  }
0x27: {  	v32 =	vsel vm3, $0x0, v5;
	v10, _, _ =	vpop (xrf2);
	(xrf2) =	vadd.scan.msk.f32 $0xffff, v31  }
0x28: {  	v33 =	vsel vm4, $0x0, v5;
	v11, _, _ =	vpop (xrf2);
	(xrf2) =	vadd.scan.msk.f32 $0xffff, v32  }
0x29: {  	v34 =	vsel vm5, $0x0, v5;
	v12, _, _ =	vpop (xrf2);
	(xrf2) =	vadd.scan.msk.f32 $0xffff, v33  }
0x2a: {  	v35 =	vsel vm6, $0x0, v5;
	v13, _, _ =	vpop (xrf2);
	(xrf2) =	vadd.scan.msk.f32 $0xffff, v34  }
0x2b: {  	v36 =	vsel vm7, $0x0, v5;
	v14, _, _ =	vpop (xrf2);
	(xrf2) =	vadd.scan.msk.f32 $0xffff, v35  }
0x2c: {  	v37 =	vsel vm8, $0x0, v5;
	v15, _, _ =	vpop (xrf2);
	(xrf2) =	vadd.scan.msk.f32 $0xffff, v36  }
0x2d: {  	v38 =	vsel vm9, $0x0, v5;
	v16, _, _ =	vpop (xrf2);
	(xrf2) =	vadd.scan.msk.f32 $0xffff, v37  }
0x2e: {  	v39 =	vsel vm10, $0x0, v5;
	v17, _, _ =	vpop (xrf2);
	(xrf2) =	vadd.scan.msk.f32 $0xffff, v38  }
0x2f: {  	v18 =	vld [tilespmem:$0x4020];
	v40 =	vsel vm11, $0x0, v5;
	v19, _, _ =	vpop (xrf2);
	(xrf2) =	vadd.scan.msk.f32 $0xffff, v39  }
0x30: {  	v41 =	vsel vm12, $0x0, v5;
	v20, _, _ =	vpop (xrf2);
	(xrf2) =	vadd.scan.msk.f32 $0xffff, v40  }
0x31: {  	v42 =	vsel vm13, $0x0, v5;
	v21, _, _ =	vpop (xrf2);
	(xrf2) =	vadd.scan.msk.f32 $0xffff, v41  }
0x32: {  	v43 =	vsel vm14, $0x0, v5;
	v22, _, _ =	vpop (xrf2);
	(xrf2) =	vadd.scan.msk.f32 $0xffff, v42  }
0x33: {  	v44 =	vsel vm15, $0x0, v5;
	v23, _, _ =	vpop (xrf2);
	(xrf2) =	vadd.scan.msk.f32 $0xffff, v43  }
0x34: {  	v45 =	vnsel vm0, $0x0, v18;
	v5, _, _ =	vpop (xrf2);
	(xrf2) =	vadd.scan.msk.f32 $0xffff, v44  }
0x35: {  	v46 =	vsel vm1, $0x0, v18;
	v24, _, _ =	vpop (xrf2);
	(xrf2) =	vadd.scan.msk.f32 $0xffff, v45  }
0x36: {  	v47 =	vsel vm2, $0x0, v18;
	v25, _, _ =	vpop (xrf2);
	(xrf2) =	vadd.scan.msk.f32 $0xffff, v46  }
0x37: {  	v48 =	vsel vm3, $0x0, v18;
	v26, _, _ =	vpop (xrf2);
	(xrf2) =	vadd.scan.msk.f32 $0xffff, v47  }
0x38: {  	v49 =	vsel vm4, $0x0, v18;
	v27, _, _ =	vpop (xrf2);
	(xrf2) =	vadd.scan.msk.f32 $0xffff, v48  }
0x39: {  	v50 =	vsel vm5, $0x0, v18;
	v0 =	vbroadcast v0, $0xF;
	v28, _, _ =	vpop (xrf2);
	(xrf2) =	vadd.scan.msk.f32 $0xffff, v49  }
0x3a: {  	v51 =	vsel vm6, $0x0, v18;
	v36 =	vbroadcast v2, $0xF;
	v29, _, _ =	vpop (xrf2);
	(xrf2) =	vadd.scan.msk.f32 $0xffff, v50  }
0x3b: {  	v52 =	vsel vm7, $0x0, v18;
	[tilespmem:$0x1FD40] =	vst v0;
	v44 =	vbroadcast v3, $0xF;
	v33, _, _ =	vpop (xrf2);
	(xrf2) =	vadd.scan.msk.f32 $0xffff, v51  }
0x3c: {  	v53 =	vsel vm8, $0x0, v18;
	[tilespmem:$0x1FD70] =	vst v36;
	v46 =	vbroadcast v7, $0xF;
	v34, _, _ =	vpop (xrf2);
	(xrf2) =	vadd.scan.msk.f32 $0xffff, v52  }
0x3d: {  	[tilespmem:$0x1FD80] =	vst v44;
	v7 =	vbroadcast v13, $0xF;
	v35, _, _ =	vpop (xrf2);
	(xrf2) =	vadd.scan.msk.f32 $0xffff, v53  }
0x3e: {  	v54 =	vsel vm9, $0x0, v18;
	v13 =	vbroadcast v19, $0xF;
	[tilespmem:$0x1FD90] =	vst v46;
	v37, _, _ =	vpop (xrf2)  }
0x3f: {  	v55 =	vsel vm10, $0x0, v18;
	v19 =	vbroadcast v22, $0xF;
	[tilespmem:$0x1FE10] =	vst v7;
	(xrf2) =	vadd.scan.msk.f32 $0xffff, v54;
	v38, _, _ =	vpop (xrf2)  }
0x40: {  	v56 =	vsel vm11, $0x0, v18;
	v30 =	vld [tilespmem:$0x4030];
	v24 =	vbroadcast v24, $0xF;
	[tilespmem:$0x1FE70] =	vst v13;
	(xrf2) =	vadd.scan.msk.f32 $0xffff, v55;
	v39, _, _ =	vpop (xrf2)  }
0x41: {  	v57 =	vsel vm12, $0x0, v18;
	v25 =	vbroadcast v25, $0xF;
	[tilespmem:$0x1FEB0] =	vst v19;
	(xrf2) =	vadd.scan.msk.f32 $0xffff, v56;
	v40, _, _ =	vpop (xrf2)  }
0x42: {  	v58 =	vsel vm13, $0x0, v18;
	[tilespmem:$0x1FEE0] =	vst v24;
	v36 =	vbroadcast v29, $0xF;
	(xrf2) =	vadd.scan.msk.f32 $0xffff, v57;
	v41, _, _ =	vpop (xrf2)  }
0x43: {  	v59 =	vsel vm14, $0x0, v18;
	[tilespmem:$0x1FEF0] =	vst v25;
	v46 =	vbroadcast v34, $0xF;
	(xrf2) =	vadd.scan.msk.f32 $0xffff, v58;
	v42, _, _ =	vpop (xrf2)  }
0x44: {  	v60 =	vsel vm15, $0x0, v18;
	[tilespmem:$0x1FF40] =	vst v36;
	v56 =	vbroadcast v6, $0xF;
	(xrf2) =	vadd.scan.msk.f32 $0xffff, v59;
	v18, _, _ =	vpop (xrf2)  }
0x45: {  	v61 =	vnsel vm0, $0x0, v30;
	[tilespmem:$0x1FF60] =	vst v46;
	v6 =	vbroadcast v12, $0xF;
	(xrf2) =	vadd.scan.msk.f32 $0xffff, v60;
	v45, _, _ =	vpop (xrf2)  }
0x46: {  	v31 =	vsel vm1, $0x0, v30;
	v12 =	vbroadcast v17, $0xF;
	[tilespmem:$0x1FDA0] =	vst v56;
	(xrf2) =	vadd.scan.msk.f32 $0xffff, v61;
	v4, _, _ =	vpop (xrf2)  }
0x47: {  	v57 =	vbroadcast v8, $0xF;
	[tilespmem:$0x1FE00] =	vst v6;
	v47, _, _ =	vpop (xrf2);
	(xrf2) =	vadd.scan.msk.f32 $0xffff, v31  }
0x48: {  	v8 =	vbroadcast v14, $0xF;
	[tilespmem:$0x1FE60] =	vst v12  }
0x49: {  	v56 =	vbroadcast v37, $0xF;
	[tilespmem:$0x1FDB0] =	vst v57;
	v48, _, _ =	vpop (xrf2)  }
0x4a: {  	v59 =	vbroadcast v9, $0xF;
	[tilespmem:$0x1FE20] =	vst v8;
	v49, _, _ =	vpop (xrf2)  }
0x4b: {  	v9 =	vbroadcast v15, $0xF;
	[tilespmem:$0x1FF90] =	vst v56;
	v51, _, _ =	vpop (xrf2)  }
0x4c: {  	v62 =	vsel vm2, $0x0, v30;
	v15 =	vbroadcast v20, $0xF;
	[tilespmem:$0x1FDD0] =	vst v59;
	v52, _, _ =	vpop (xrf2)  }
0x4d: {  	v20 =	vbroadcast v23, $0xF;
	[tilespmem:$0x1FE40] =	vst v9;
	(xrf2) =	vadd.scan.msk.f32 $0xffff, v62;
	v53, _, _ =	vpop (xrf2)  }
0x4e: {  	v32 =	vsel vm3, $0x0, v30;
	v57 =	vbroadcast v38, $0xF;
	[tilespmem:$0x1FE80] =	vst v15;
	v54, _, _ =	vpop (xrf2)  }
0x4f: {  	v60 =	vbroadcast v10, $0xF;
	[tilespmem:$0x1FEC0] =	vst v20;
	(xrf2) =	vadd.scan.msk.f32 $0xffff, v32;
	v55, _, _ =	vpop (xrf2)  }
0x50: {  	v43 =	vsel vm4, $0x0, v30;
	v10 =	vbroadcast v16, $0xF;
	[tilespmem:$0x1FFA0] =	vst v57;
	v63, _, _ =	vpop (xrf2)  }
0x51: {  	v16 =	vbroadcast v21, $0xF;
	[tilespmem:$0x1FDE0] =	vst v60;
	v50, _, _ =	vpop (xrf2);
	(xrf2) =	vadd.scan.msk.f32 $0xffff, v43  }
0x52: {  	v21 =	vbroadcast v5, $0xF;
	[tilespmem:$0x1FE50] =	vst v10  }
0x53: {  	v61 =	vbroadcast v11, $0xF;
	[tilespmem:$0x1FE90] =	vst v16  }
0x54: {  	[tilespmem:$0x1FED0] =	vst v21;
	v60 =	vbroadcast v40, $0xF  }
0x55: {  	[tilespmem:$0x1FDF0] =	vst v61;
	v32 =	vbroadcast v1, $0xF  }
0x56: {  	v61 =	vbroadcast v41, $0xF;
	[tilespmem:$0x1FFC0] =	vst v60;
	v31 =	vbroadcast v63, $0xF;
	v63 =	vsel vm5, $0x0, v30  }
0x57: {  	[tilespmem:$0x1FD60] =	vst v32;
	v32 =	vbroadcast v28, $0xF;
	v62, _, _ =	vpop (xrf2);
	(xrf2) =	vadd.scan.msk.f32 $0xffff, v63  }
0x58: {  	v11 =	vsel vm6, $0x0, v30;
	[tilespmem:$0x1FFD0] =	vst v61  }
0x59: {  	v23 =	vsel vm7, $0x0, v30;
	[tilespmem:$0x1FF30] =	vst v32;
	v30 =	vbroadcast v26, $0xF;
	v14, _, _ =	vpop (xrf2);
	(xrf2) =	vadd.scan.msk.f32 $0xffff, v11  }
0x5a: {  	v43 =	vbroadcast v33, $0xF;
	[tilespmem:$0x1FD50] =	vst v31  }
0x5b: {  	v58 =	vbroadcast v50, $0xF;
	[tilespmem:$0x1FF00] =	vst v30;
	v22, _, _ =	vpop (xrf2);
	(xrf2) =	vadd.scan.msk.f32 $0xffff, v23  }
0x5c: {  	v31 =	vbroadcast v27, $0xF;
	[tilespmem:$0x1FF50] =	vst v43  }
0x5d: {  	v45 =	vbroadcast v45, $0xF;
	v50 =	vbroadcast v35, $0xF;
	[tilespmem:$0x1FDC0] =	vst v58  }
0x5e: {  	v46 =	vbroadcast v4, $0xF;
	v0 =	vbroadcast v62, $0xF;
	[tilespmem:$0x1FF20] =	vst v31  }
0x5f: {  	v47 =	vbroadcast v47, $0xF;
	v62 =	vbroadcast v42, $0xF;
	[tilespmem:$0x1FF70] =	vst v50  }
0x60: {  	v48 =	vbroadcast v48, $0xF;
	[tilespmem:$0x1FE30] =	vst v0;
	v0 =	vbroadcast v22, $0xF  }
0x61: {  	v49 =	vbroadcast v49, $0xF;
	v17 =	vbroadcast v14, $0xF;
	[tilespmem:$0x1FFE0] =	vst v62;
	v44, _, _ =	vpop (xrf2)  }
0x62: {  	v51 =	vbroadcast v51, $0xF;
	[tilespmem:$0x1FF10] =	vst v0;
	v0 =	vbroadcast v44, $0xF  }
0x63: {  	v52 =	vbroadcast v52, $0xF;
	v58 =	vbroadcast v39, $0xF;
	[tilespmem:$0x1FEA0] =	vst v17;
	v59, _, _ =	vpop (xrf2)  }
0x64: {  	v53 =	vbroadcast v53, $0xF;
	[tilespmem:$0x1FF80] =	vst v0;
	v0 =	vbroadcast v59, $0xF  }
0x65: {  	v54 =	vbroadcast v54, $0xF;
	v55 =	vbroadcast v55, $0xF;
	[tilespmem:$0x1FFB0] =	vst v58;
	v63, _, _ =	vpop (xrf2)  }
0x66: {  	s11 =	simm.s32 $0x30;
	p0 =	por $0x0, $0x0;
	s12 =	simm.s32 $0x0;
	v44 =	vbroadcast v18, $0xF;
	[tilespmem:$0x1FFF0] =	vst v0;
	v50 =	vbroadcast v63, $0xF  }
.LBB2_2:
0x67: {  	v18 =	vld [tilespmem:$0x1FD40]  }
0x68: {  	v20 =	vld [tilespmem:$0x1FD50]  }
0x69: {  	v21 =	vld [tilespmem:$0x1FD60]  }
0x6a: {  	v23 =	vld [tilespmem:$0x1FD70]  }
0x6b: {  	v24 =	vld [tilespmem:$0x1FD80]  }
0x6c: {  	s13 =	sadd.s32 $0xFFFFFFD0, s11;
	v25 =	vld [tilespmem:$0x1FD90]  }
0x6d: {  	s15 =	sand.u32 $0x40, s12;
	v26 =	vld [tilespmem:$0x1FDA0];
	s16 =	sand.u32 $0x1C00, s13  }
0x6e: {  	v27 =	vld [tilespmem:$0x1FDB0];
	s20 =	sor.u32 s15, s16  }
0x6f: {  	v10 =	vld [tilespmem:s20+$0x0]  }
0x70: {  	v4 =	vld [tilespmem:s20+$0x80]  }
0x71: {  	v61 =	vld [tilespmem:s20+$0x100]  }
0x72: {  	v60 =	vld [tilespmem:s20+$0x180]  }
0x73: {  	v13 =	vld [tilespmem:s20+$0x10]  }
0x74: {  	v7 =	vld [tilespmem:s20+$0x90]  }
0x75: {  	s14 =	simm.s32 $0x1;
	v1 =	vld [tilespmem:s20+$0x110]  }
0x76: {  	s14 =	simm.s32 @!p0 $0x0;
	v62 =	vld [tilespmem:s20+$0x190]  }
0x77: {  	s19 =	sshll.u32 s14, $0x6;
	v6 =	vld [tilespmem:s20+$0x20]  }
0x78: {  	s29 =	sadd.s32 s11, s19;
	v11 =	vld [tilespmem:s20+$0x30]  }
0x79: {  	v5 =	vld [tilespmem:s20+$0xA0];
	s30 =	sadd.s32 $0xFFFFFFD0, s29  }
0x7a: {  	v63 =	vld [tilespmem:s20+$0x1A0];
	s21 =	sor.u32 $0x200, s30  }
0x7b: {  	s31 =	sadd.s32 $0xFFFFFFE0, s29;
	s17 =	sor.u32 $0x280, s30;
	v58 =	vld [tilespmem:s21+$0x0];
	v0 =	vmul.f32 v10, v18  }
0x7c: {  	s22 =	sor.u32 $0x200, s31;
	v56 =	vld [tilespmem:s17+$0x0];
	v2 =	vmul.f32 v4, v21;
	v3 =	vmul.f32 v13, v18  }
0x7d: {  	s18 =	sor.u32 $0x280, s31;
	v59 =	vld [tilespmem:s22+$0x0];
	v14 =	vmul.f32 v6, v18;
	v30 =	vmul.f32 v11, v18  }
0x7e: {  	v57 =	vld [tilespmem:s18+$0x0];
	v8 =	vmul.f32 v7, v21;
	v0 =	vadd.f32 v0, v20;
	v3 =	vadd.f32 v3, v20  }
0x7f: {  	v28 =	vmul.f32 v61, v23;
	v14 =	vadd.f32 v14, v20;
	v20 =	vadd.f32 v30, v20;
	v30 =	vld [tilespmem:$0x1FDF0]  }
0x80: {  	v12 =	vmul.f32 v1, v23;
	v0 =	vadd.f32 v2, v0;
	v2 =	vld [tilespmem:s20+$0x120];
	v3 =	vadd.f32 v8, v3  }
0x81: {  	v9 =	vmul.f32 v60, v24;
	v29 =	vmul.f32 v62, v24;
	v8 =	vld [tilespmem:s20+$0xB0]  }
0x82: {  	v16 =	vmul.f32 v5, v21;
	v0 =	vadd.f32 v28, v0;
	v3 =	vadd.f32 v12, v3;
	v12 =	vld [tilespmem:s20+$0x1B0]  }
0x83: {  	s16 =	sadd.s32 $0xFFFFFFF0, s29;
	v22 =	vmul.f32 v63, v24;
	v36 =	vmul.f32 v10, v27;
	v28 =	vld [tilespmem:$0x1FDD0]  }
0x84: {  	s24 =	sor.u32 $0x200, s16;
	v43 =	vmul.f32 v13, v27;
	v15 =	vmul.f32 v58, v25;
	v0 =	vadd.f32 v9, v0;
	v9 =	vld [tilespmem:s20+$0x130]  }
0x85: {  	v31 =	vmul.f32 v59, v25;
	v19 =	vmul.f32 v56, v26;
	v17 =	vadd.f32 v29, v3;
	v3 =	vld [tilespmem:s24+$0x0]  }
0x86: {  	s19 =	sadd.s32 s13, s19;
	s23 =	sor.u32 $0x280, s16;
	v14 =	vadd.f32 v16, v14;
	v29 =	vld [tilespmem:$0x1FDE0];
	v32 =	vmul.f32 v2, v23;
	v21 =	vmul.f32 v8, v21  }
0x87: {  	s19 =	sadd.s32 $0x30, s19;
	v33 =	vmul.f32 v57, v26;
	v15 =	vadd.f32 v15, v0;
	v0 =	vld [tilespmem:s23+$0x0];
	v17 =	vadd.f32 v31, v17  }
0x88: {  	s26 =	sor.u32 $0x200, s19;
	v16 =	vadd.f32 v32, v14;
	v20 =	vadd.f32 v21, v20;
	v39 =	vmul.f32 v12, v24;
	v24 =	vld [tilespmem:$0x1FDC0]  }
0x89: {  	v31 =	vmul.f32 v11, v27;
	v14 =	vld [tilespmem:s26+$0x0];
	v15 =	vadd.f32 v19, v15;
	v35 =	vadd.f32 v33, v17  }
0x8a: {  	v34 =	vmul.f32 v9, v23;
	v16 =	vadd.f32 v22, v16;
	v37 =	vmul.f32 v3, v25  }
0x8b: {  	s25 =	sor.u32 $0x280, s19;
	v41 =	vmul.f32 v4, v28;
	v33 =	vmul.f32 v61, v29;
	[tilespmem:$0x1FD00] =	vst v15  }
0x8c: {  	[tilespmem:$0x1FD10] =	vst v35;
	v15 =	vld [tilespmem:s25+$0x0];
	v35 =	vmul.f32 v7, v28;
	v38 =	vadd.f32 v34, v20;
	v16 =	vadd.f32 v37, v16  }
0x8d: {  	v42 =	vmul.f32 v0, v26;
	v37 =	vmul.f32 v60, v30;
	v40 =	vadd.f32 v36, v24  }
0x8e: {  	v34 =	vmul.f32 v14, v25;
	v22 =	vadd.f32 v43, v24;
	v43 =	vmul.f32 v62, v30  }
0x8f: {  	v25 =	vmul.f32 v5, v28;
	v20 =	vadd.f32 v31, v24;
	v18 =	vadd.f32 v39, v38  }
0x90: {  	v16 =	vadd.f32 v42, v16;
	v39 =	vmul.f32 v1, v29;
	v32 =	vadd.f32 v41, v40  }
0x91: {  	v38 =	vadd.f32 v35, v22;
	v41 =	vmul.f32 v6, v27;
	v40 =	vmul.f32 v15, v26;
	v26 =	vld [tilespmem:$0x1FE00]  }
0x92: {  	v27 =	vld [tilespmem:$0x1FE10];
	v35 =	vmul.f32 v8, v28;
	v18 =	vadd.f32 v34, v18;
	v36 =	vadd.f32 v33, v32  }
0x93: {  	v28 =	vld [tilespmem:$0x1FE20];
	v19 =	vadd.f32 v39, v38;
	v17 =	vadd.f32 v41, v24;
	v33 =	vmul.f32 v2, v29  }
0x94: {  	v38 =	vmul.f32 v63, v30;
	v20 =	vadd.f32 v35, v20;
	v39 =	vmul.f32 v9, v29;
	v29 =	vld [tilespmem:$0x1FE30]  }
0x95: {  	v18 =	vadd.f32 v40, v18;
	v19 =	vadd.f32 v43, v19;
	v43 =	vmul.f32 v12, v30;
	v30 =	vld [tilespmem:$0x1FE40]  }
0x96: {  	[tilespmem:$0x1FD20] =	vst v16;
	v16 =	vadd.f32 v37, v36;
	v17 =	vadd.f32 v25, v17;
	v42 =	vmul.f32 v58, v26  }
0x97: {  	v20 =	vadd.f32 v39, v20;
	v34 =	vmul.f32 v56, v27;
	v32 =	vmul.f32 v59, v26  }
0x98: {  	v31 =	vld [tilespmem:$0x1FE50];
	v36 =	vmul.f32 v57, v27;
	v40 =	vmul.f32 v10, v28;
	v16 =	vadd.f32 v42, v16  }
0x99: {  	v35 =	vmul.f32 v13, v28;
	v37 =	vadd.f32 v33, v17;
	v19 =	vadd.f32 v32, v19  }
0x9a: {  	[tilespmem:$0x1FD30] =	vst v18;
	v32 =	vld [tilespmem:$0x1FE60];
	v33 =	vmul.f32 v4, v30;
	v18 =	vadd.f32 v34, v16;
	v16 =	vadd.f32 v40, v29  }
0x9b: {  	v20 =	vadd.f32 v43, v20;
	v41 =	vadd.f32 v38, v37;
	v42 =	vmul.f32 v3, v26  }
0x9c: {  	v24 =	vadd.f32 v35, v29;
	v38 =	vmul.f32 v7, v30;
	v16 =	vadd.f32 v33, v16;
	v33 =	vld [tilespmem:$0x1FE70]  }
0x9d: {  	v17 =	vadd.f32 v36, v19;
	v19 =	vadd.f32 v42, v41;
	v36 =	vmul.f32 v61, v31  }
0x9e: {  	v34 =	vmul.f32 v0, v27;
	v41 =	vmul.f32 v1, v31;
	v40 =	vadd.f32 v38, v24  }
0x9f: {  	v43 =	vmul.f32 v6, v28;
	v39 =	vmul.f32 v60, v32;
	v16 =	vadd.f32 v36, v16  }
0xa0: {  	v37 =	vmul.f32 v14, v26;
	v19 =	vadd.f32 v34, v19;
	v22 =	vadd.f32 v41, v40  }
0xa1: {  	v35 =	vmul.f32 v62, v32;
	v16 =	vadd.f32 v39, v16;
	v34 =	vmul.f32 v58, v33  }
0xa2: {  	v20 =	vadd.f32 v37, v20;
	v42 =	vmul.f32 v15, v27;
	v37 =	vmul.f32 v11, v28  }
0xa3: {  	v22 =	vadd.f32 v35, v22;
	v35 =	vmul.f32 v9, v31;
	v16 =	vadd.f32 v34, v16;
	v34 =	vld [tilespmem:$0x1FE80]  }
0xa4: {  	v21 =	vadd.f32 v43, v29;
	v39 =	vmul.f32 v2, v31;
	v31 =	vld [tilespmem:$0x1FE90];
	v38 =	vmul.f32 v59, v33  }
0xa5: {  	v23 =	vadd.f32 v37, v29;
	v41 =	vmul.f32 v8, v30;
	v43 =	vmul.f32 v63, v32  }
0xa6: {  	v36 =	vmul.f32 v5, v30;
	v22 =	vadd.f32 v38, v22;
	v38 =	vmul.f32 v12, v32;
	v32 =	vld [tilespmem:$0x1FEA0]  }
0xa7: {  	v23 =	vadd.f32 v41, v23  }
0xa8: {  	v20 =	vadd.f32 v42, v20;
	v21 =	vadd.f32 v36, v21;
	v40 =	vmul.f32 v56, v34  }
0xa9: {  	v23 =	vadd.f32 v35, v23;
	v35 =	vld [tilespmem:$0x1FEB0];
	v36 =	vmul.f32 v10, v31;
	v42 =	vmul.f32 v57, v34  }
0xaa: {  	v24 =	vadd.f32 v39, v21;
	v21 =	vadd.f32 v40, v16  }
0xab: {  	v16 =	vadd.f32 v42, v22;
	v22 =	vadd.f32 v36, v32;
	v36 =	vld [tilespmem:$0x1FEC0];
	_ =	sdelay $0x2  }
0xac: {  	v39 =	vmul.f32 v4, v35  }
0xad: {  	v37 =	vmul.f32 v3, v33;
	v24 =	vadd.f32 v43, v24  }
0xae: {  	v43 =	vmul.f32 v14, v33;
	v33 =	vld [tilespmem:$0x1FED0];
	v41 =	vadd.f32 v39, v22;
	v42 =	vmul.f32 v61, v36  }
0xaf: {  	v23 =	vadd.f32 v38, v23;
	v25 =	vmul.f32 v0, v34  }
0xb0: {  	v40 =	vmul.f32 v13, v31;
	v38 =	vadd.f32 v42, v41;
	v42 =	vmul.f32 v15, v34;
	v34 =	vld [tilespmem:$0x1FEE0];
	_ =	sdelay $0x1  }
0xb1: {  	v24 =	vadd.f32 v37, v24;
	v37 =	vmul.f32 v7, v35;
	v28 =	vadd.f32 v40, v32  }
0xb2: {  	v39 =	vmul.f32 v60, v33  }
0xb3: {  	v23 =	vadd.f32 v43, v23;
	v40 =	vadd.f32 v37, v28;
	v41 =	vmul.f32 v1, v36  }
0xb4: {  	v22 =	vadd.f32 v25, v24;
	v24 =	vadd.f32 v39, v38;
	v37 =	vmul.f32 v58, v34  }
0xb5: {  	v43 =	vmul.f32 v6, v31;
	v26 =	vadd.f32 v41, v40;
	v38 =	vmul.f32 v62, v33  }
0xb6: {  	v40 =	vmul.f32 v11, v31;
	v24 =	vadd.f32 v37, v24;
	v37 =	vld [tilespmem:$0x1FEF0]  }
0xb7: {  	v25 =	vadd.f32 v43, v32;
	v39 =	vmul.f32 v5, v35;
	v26 =	vadd.f32 v38, v26  }
0xb8: {  	v27 =	vadd.f32 v40, v32;
	v38 =	vmul.f32 v8, v35;
	v41 =	vmul.f32 v59, v34  }
0xb9: {  	v23 =	vadd.f32 v42, v23;
	v42 =	vmul.f32 v2, v36;
	v25 =	vadd.f32 v39, v25;
	v35 =	vld [tilespmem:$0x1FF00]  }
0xba: {  	v27 =	vadd.f32 v38, v27;
	v38 =	vld [tilespmem:$0x1FF20];
	v26 =	vadd.f32 v41, v26;
	v41 =	vmul.f32 v9, v36  }
0xbb: {  	v36 =	vld [tilespmem:$0x1FF10];
	v43 =	vmul.f32 v56, v37;
	v39 =	vmul.f32 v57, v37  }
0xbc: {  	v40 =	vmul.f32 v63, v33;
	v28 =	vadd.f32 v42, v25  }
0xbd: {  	v25 =	vadd.f32 v43, v24;
	v24 =	vadd.f32 v39, v26;
	v39 =	vld [tilespmem:$0x1FF30]  }
0xbe: {  	v28 =	vadd.f32 v40, v28;
	v42 =	vmul.f32 v10, v35  }
0xbf: {  	v40 =	vmul.f32 v12, v33;
	v33 =	vmul.f32 v14, v34;
	v27 =	vadd.f32 v41, v27  }
0xc0: {  	v41 =	vmul.f32 v4, v38;
	v43 =	vmul.f32 v3, v34;
	v26 =	vadd.f32 v42, v36  }
0xc1: {  	v29 =	vmul.f32 v0, v37;
	v42 =	vmul.f32 v13, v35  }
0xc2: {  	v28 =	vadd.f32 v43, v28;
	v43 =	vadd.f32 v41, v26;
	v41 =	vmul.f32 v61, v39  }
0xc3: {  	v27 =	vadd.f32 v40, v27;
	v40 =	vld [tilespmem:$0x1FF40];
	v34 =	vmul.f32 v7, v38;
	v32 =	vadd.f32 v42, v36  }
0xc4: {  	v26 =	vadd.f32 v29, v28;
	v28 =	vadd.f32 v41, v43;
	v41 =	vmul.f32 v6, v35  }
0xc5: {  	v30 =	vadd.f32 v34, v32;
	v32 =	vmul.f32 v15, v37;
	v37 =	vld [tilespmem:$0x1FF50]  }
0xc6: {  	v29 =	vadd.f32 v41, v36;
	v41 =	vmul.f32 v5, v38  }
0xc7: {  	v31 =	vmul.f32 v11, v35  }
0xc8: {  	v27 =	vadd.f32 v33, v27;
	v42 =	vmul.f32 v60, v40;
	v29 =	vadd.f32 v41, v29;
	v41 =	vld [tilespmem:$0x1FF60]  }
0xc9: {  	v31 =	vadd.f32 v31, v36;
	v43 =	vmul.f32 v1, v39  }
0xca: {  	v27 =	vadd.f32 v32, v27;
	v28 =	vadd.f32 v42, v28;
	v42 =	vmul.f32 v58, v37  }
0xcb: {  	v32 =	vmul.f32 v2, v39;
	v30 =	vadd.f32 v43, v30;
	v43 =	vmul.f32 v62, v40  }
0xcc: {  	v33 =	vmul.f32 v59, v37;
	v28 =	vadd.f32 v42, v28;
	v42 =	vmul.f32 v8, v38  }
0xcd: {  	v36 =	vmul.f32 v63, v40;
	v38 =	vld [tilespmem:$0x1FF70];
	v34 =	vmul.f32 v56, v41  }
0xce: {  	v30 =	vadd.f32 v43, v30;
	v31 =	vadd.f32 v42, v31;
	v42 =	vmul.f32 v9, v39;
	v39 =	vld [tilespmem:$0x1FF80]  }
0xcf: {  	v32 =	vadd.f32 v32, v29;
	v29 =	vadd.f32 v34, v28;
	v34 =	vmul.f32 v12, v40;
	v40 =	vld [tilespmem:$0x1FF90]  }
0xd0: {  	v30 =	vadd.f32 v33, v30;
	v43 =	vmul.f32 v57, v41;
	_ =	sdelay $0x1  }
0xd1: {  	v28 =	vadd.f32 v43, v30;
	v43 =	vmul.f32 v10, v38;
	_ =	sdelay $0x1  }
0xd2: {  	v31 =	vadd.f32 v42, v31;
	v30 =	vadd.f32 v43, v39;
	v42 =	vmul.f32 v4, v40;
	_ =	sdelay $0x1  }
0xd3: {  	v30 =	vadd.f32 v42, v30;
	v42 =	vld [tilespmem:$0x1FFA0];
	_ =	sdelay $0x4  }
0xd4: {  	v32 =	vadd.f32 v36, v32;
	v36 =	vmul.f32 v13, v38;
	v43 =	vmul.f32 v61, v42  }
0xd5: {  	v35 =	vmul.f32 v14, v37;
	v33 =	vmul.f32 v3, v37  }
0xd6: {  	v36 =	vadd.f32 v36, v39;
	v37 =	vmul.f32 v7, v40;
	v30 =	vadd.f32 v43, v30;
	v43 =	vld [tilespmem:$0x1FFB0]  }
0xd7: {  	v32 =	vadd.f32 v33, v32;
	v33 =	vmul.f32 v0, v41  }
0xd8: {  	v31 =	vadd.f32 v34, v31;
	v34 =	vadd.f32 v37, v36;
	v36 =	vmul.f32 v15, v41;
	v41 =	vld [tilespmem:$0x1FFC0];
	_ =	sdelay $0x2  }
0xd9: {  	v32 =	vadd.f32 v33, v32;
	v33 =	vmul.f32 v60, v43  }
0xda: {  	v31 =	vadd.f32 v35, v31;
	v35 =	vmul.f32 v1, v42  }
0xdb: {  	v30 =	vadd.f32 v33, v30;
	v33 =	vmul.f32 v58, v41  }
0xdc: {  	v37 =	vmul.f32 v6, v38;
	v34 =	vadd.f32 v35, v34;
	v35 =	vmul.f32 v62, v43  }
0xdd: {  	v31 =	vadd.f32 v36, v31;
	v30 =	vadd.f32 v33, v30;
	v33 =	vmul.f32 v11, v38  }
0xde: {  	v36 =	vmul.f32 v5, v40;
	v34 =	vadd.f32 v35, v34;
	v35 =	vadd.f32 v37, v39  }
0xdf: {  	v38 =	vmul.f32 v8, v40;
	v33 =	vadd.f32 v33, v39  }
0xe0: {  	v35 =	vadd.f32 v36, v35  }
0xe1: {  	v36 =	vmul.f32 v2, v42;
	v42 =	vmul.f32 v9, v42;
	v33 =	vadd.f32 v38, v33  }
0xe2: {  	v40 =	vld [tilespmem:$0x1FFD0]  }
0xe3: {  	v33 =	vadd.f32 v42, v33;
	v42 =	vmul.f32 v12, v43  }
0xe4: {  	v35 =	vadd.f32 v36, v35;
	v36 =	vmul.f32 v63, v43  }
0xe5: {  	[tilespmem:s20+$0x2080] =	vst v18;
	v18 =	vmul.f32 v58, v47;
	v37 =	vmul.f32 v59, v41;
	v33 =	vadd.f32 v42, v33;
	v42 =	vld [tilespmem:$0x1FFE0]  }
0xe6: {  	[tilespmem:s20+$0x2090] =	vst v17;
	v17 =	vmul.f32 v59, v47;
	v35 =	vadd.f32 v36, v35;
	v36 =	vmul.f32 v3, v41  }
0xe7: {  	v34 =	vadd.f32 v37, v34;
	v37 =	vmul.f32 v14, v41;
	v39 =	vmul.f32 v56, v40;
	v43 =	vld [tilespmem:$0x1FFF0]  }
0xe8: {  	v38 =	vmul.f32 v57, v40;
	v35 =	vadd.f32 v36, v35;
	v36 =	vmul.f32 v0, v40  }
0xe9: {  	v40 =	vmul.f32 v15, v40;
	v30 =	vadd.f32 v39, v30;
	v33 =	vadd.f32 v37, v33  }
0xea: {  	v34 =	vadd.f32 v38, v34;
	v38 =	vmul.f32 v10, v42;
	v39 =	vmul.f32 v13, v42  }
0xeb: {  	[tilespmem:s20+$0x21A0] =	vst v26;
	v26 =	vmul.f32 v61, v52;
	v41 =	vmul.f32 v7, v44;
	v33 =	vadd.f32 v40, v33  }
0xec: {  	v40 =	vld [tilespmem:$0x1FD00];
	v37 =	vadd.f32 v38, v43;
	v38 =	vmul.f32 v4, v44;
	v39 =	vadd.f32 v39, v43  }
0xed: {  	v35 =	vadd.f32 v36, v35;
	v10 =	vmul.f32 v10, v49;
	v13 =	vmul.f32 v13, v49  }
0xee: {  	v7 =	vmul.f32 v7, v51;
	v36 =	vadd.f32 v38, v37;
	v38 =	vadd.f32 v41, v39;
	v41 =	vld [tilespmem:$0x1FD10]  }
0xef: {  	v10 =	vadd.f32 v10, v50;
	v4 =	vmul.f32 v4, v51;
	v13 =	vadd.f32 v13, v50  }
0xf0: {  	v37 =	vmul.f32 v61, v45;
	v39 =	vmul.f32 v1, v45  }
0xf1: {  	[tilespmem:s20+$0x2000] =	vst v40;
	v40 =	vmul.f32 v6, v42;
	v4 =	vadd.f32 v4, v10;
	v7 =	vadd.f32 v7, v13  }
0xf2: {  	[tilespmem:s20+$0x20A0] =	vst v19;
	v1 =	vmul.f32 v1, v52;
	v6 =	vmul.f32 v6, v49;
	v36 =	vadd.f32 v37, v36  }
0xf3: {  	v37 =	vmul.f32 v60, v46;
	v38 =	vadd.f32 v39, v38;
	[tilespmem:s20+$0x2010] =	vst v41;
	v41 =	vmul.f32 v11, v42;
	v42 =	vld [tilespmem:$0x1FD20]  }
0xf4: {  	[tilespmem:s20+$0x20B0] =	vst v20;
	v39 =	vmul.f32 v62, v46;
	v4 =	vadd.f32 v26, v4;
	v1 =	vadd.f32 v1, v7  }
0xf5: {  	[tilespmem:s20+$0x2100] =	vst v21;
	v36 =	vadd.f32 v37, v36;
	v37 =	vadd.f32 v40, v43;
	v40 =	vmul.f32 v5, v44  }
0xf6: {  	[tilespmem:s20+$0x2180] =	vst v25;
	v25 =	vmul.f32 v15, v48;
	v6 =	vadd.f32 v6, v50;
	v38 =	vadd.f32 v39, v38  }
0xf7: {  	[tilespmem:s20+$0x2110] =	vst v16;
	v5 =	vmul.f32 v5, v51;
	v11 =	vmul.f32 v11, v49;
	v37 =	vadd.f32 v40, v37  }
0xf8: {  	v40 =	vmul.f32 v2, v45;
	v18 =	vadd.f32 v18, v36;
	v17 =	vadd.f32 v17, v38;
	[tilespmem:s20+$0x2020] =	vst v42;
	v42 =	vld [tilespmem:$0x1FD30]  }
0xf9: {  	[tilespmem:s20+$0x2120] =	vst v22;
	v36 =	vmul.f32 v60, v53;
	v5 =	vadd.f32 v5, v6;
	v2 =	vmul.f32 v2, v52  }
0xfa: {  	[tilespmem:s20+$0x2130] =	vst v23;
	v60 =	vmul.f32 v14, v54;
	v39 =	vadd.f32 v41, v43;
	v41 =	vmul.f32 v8, v44  }
0xfb: {  	[tilespmem:s20+$0x2190] =	vst v24;
	v38 =	vadd.f32 v11, v50;
	v8 =	vmul.f32 v8, v51;
	v43 =	vadd.f32 v40, v37  }
0xfc: {  	[tilespmem:s20+$0x21B0] =	vst v27;
	v40 =	vmul.f32 v63, v46;
	v37 =	vmul.f32 v62, v53;
	v4 =	vadd.f32 v36, v4  }
0xfd: {  	v2 =	vadd.f32 v2, v5;
	v39 =	vadd.f32 v41, v39;
	v41 =	vmul.f32 v9, v45;
	[tilespmem:s20+$0x2030] =	vst v42  }
0xfe: {  	v7 =	vadd.f32 v8, v38;
	v9 =	vmul.f32 v9, v52;
	v19 =	vadd.f32 v40, v43;
	[tilespmem:s21+$0x2000] =	vst v29  }
0xff: {  	v43 =	vmul.f32 v57, v48;
	v20 =	vadd.f32 v41, v39;
	v41 =	vmul.f32 v12, v46;
	[tilespmem:s22+$0x2000] =	vst v28  }
0x100: {  	v40 =	vmul.f32 v3, v47;
	v1 =	vadd.f32 v37, v1;
	v3 =	vmul.f32 v3, v54;
	[tilespmem:s24+$0x2000] =	vst v32  }
0x101: {  	v20 =	vadd.f32 v41, v20;
	v41 =	vmul.f32 v14, v47;
	v42 =	vmul.f32 v56, v48;
	[tilespmem:s26+$0x2000] =	vst v31  }
0x102: {  	v17 =	vadd.f32 v43, v17;
	v16 =	vadd.f32 v40, v19;
	v43 =	vmul.f32 v0, v48;
	[tilespmem:s17+$0x2000] =	vst v30  }
0x103: {  	v39 =	vmul.f32 v58, v54;
	v18 =	vadd.f32 v42, v18;
	v42 =	vadd.f32 v41, v20;
	[tilespmem:s18+$0x2000] =	vst v34  }
0x104: {  	v40 =	vmul.f32 v59, v54;
	v16 =	vadd.f32 v43, v16;
	v41 =	vmul.f32 v63, v53;
	[tilespmem:s23+$0x2000] =	vst v35  }
0x105: {  	s15 =	sor.u32 $0x300, s30;
	v43 =	vmul.f32 v12, v53;
	v19 =	vadd.f32 v25, v42;
	v42 =	vadd.f32 v9, v7;
	[tilespmem:s25+$0x2000] =	vst v33  }
0x106: {  	v58 =	vmul.f32 v56, v55;
	v4 =	vadd.f32 v39, v4;
	v2 =	vadd.f32 v41, v2;
	s25 =	sor.u32 $0x300, s31;
	[tilespmem:s15+$0x2000] =	vst v18  }
0x107: {  	v59 =	vmul.f32 v57, v55;
	v1 =	vadd.f32 v40, v1;
	s26 =	sor.u32 $0x300, s16;
	v6 =	vadd.f32 v43, v42;
	[tilespmem:s25+$0x2000] =	vst v17  }
0x108: {  	p1 =	sne.s32 s11, $0x1E30;
	s13 =	sor.u32 s13, s12;
	s28 =	sor.u32 $0x300, s19;
	v0 =	vmul.f32 v0, v55;
	v4 =	vadd.f32 v58, v4;
	v2 =	vadd.f32 v3, v2;
	[tilespmem:s26+$0x2000] =	vst v16  }
.Ltmp0:
0x109: {  	s13 =	sor.u32 $0x380, s13;
	v62 =	vmul.f32 v15, v55;
	v1 =	vadd.f32 v59, v1;
	v61 =	vadd.f32 v60, v6;
	[tilespmem:s28+$0x2000] =	vst v19;
	(pc) =	sbr.rel @p1 .LBB2_2-.Ltmp0, $4  }
0x10a: {  	s29 =	sor.u32 $0x380, s31;
	v0 =	vadd.f32 v0, v2;
	[tilespmem:s13+$0x2000] =	vst v4  }
0x10b: {  	s30 =	sor.u32 $0x380, s16;
	v63 =	vadd.f32 v62, v61;
	[tilespmem:s29+$0x2000] =	vst v1  }
0x10c: {  	s31 =	sor.u32 $0x380, s19;
	[tilespmem:s30+$0x2000] =	vst v0  }
0x10d: {  	p0 =	por !p0, !p0;
	s12 =	sadd.s32 $0x40, s12;
	s11 =	sadd.s32 $0x200, s11;
	[tilespmem:s31+$0x2000] =	vst v63  }
0x10e: {  	s10 =	sadd.s32 $0x1, s10  }
0x10f: {  	p0 =	sne.s32 s10, s6  }
.Ltmp1:
0x110: {  	_ = 	snop;
	(pc) =	sbr.rel @p0 .LBB2_1-.Ltmp1, $4  }
0x111: {  	[hbm4b:s5+s2] =	stream.linear.scatter [tilespmem:s9], [sflag:$0x1], $0x2000, $0x38;
	[tilespmem:$0x4080] =	vst v63  }
0x112: {  	_ =	swait.ge [sflag:s8], $0x2000  }
0x113: {  	[sflag:s8] =	ssyncset.done $0x0  }
0x114: {  	[sflag:s8] =	ssyncadd.s32 $0xFFFFE000  }
0x115: {  	_ =	sfence.sel $0x180000  }
0x116: {  	[bflag:$0x0] =	sbarrier.arrive $0xFFFF  }
0x117: {  	p0 =	sne.s32 s1, $0x0;
	_ =	strace $0x90000047  }
0x118: {  	s0 =	sadd.s32 @!p0 $0x100000, s0;
	[bflag:$0x2] =	sbarrier.arrive $0xFFFF  }
0x119: {  	[sflag:s0] =	ssyncadd.tile.s32 @!p0 $0x1;
	_ =	shalt  }
.Lfunc_end2:
_tile_overlayer_lowered:
.L_overlay_start_2:
0x11a: {  	(tag) =	ssettag $0x2  }
0x11b: {  	s0 =	rddreg [dreg:$0x0];
	s2 =	stileid.u32  }
0x11c: {  	s1 =	rddreg [dreg:$0x1];
	p0 =	sne.s32 s2, $0x0  }
0x11d: {  	s3 =	rddreg [dreg:$0x2];
	[bflag:$0x3] =	sbarrier.arrive $0xFFFF;
	s2 =	simm.s32 @!p0 $0x1C01  }
0x11e: {  	[timem:s3], [sflag:s2] =	dma.local @!p0 [hbm:s0], s1  }
0x11f: {  	s0 =	simm.s32 @!p0 $0x1  }
0x120: {  	_ =	swait.ge @!p0 [sflag:s0], s1  }
0x121: {  	s1 =	ssub.s32 @!p0 $0x0, s1;
	[sflag:s0] =	ssyncset.done @!p0 $0x0  }
0x122: {  	[sflag:s0] =	ssyncadd.s32 @!p0 s1  }
0x123: {  	[bflag:$0x3] =	sbarrier.arrive $0xFFFF  }
0x124: {  	_ =	shalt  }

</sc_bundles>
